<compile_context>
chip_gen: v7x
topology: tpu7x:2x2x1
jax: 0.10.2.dev20260603
libtpu: 0.0.44.dev20260713+nightly
codegen_flags: <defaults>
</compile_context>

<pallas_src>
import functools

import jax
import jax.numpy as jnp
from jax import lax
from jax.experimental import pallas as pl
from jax.experimental.pallas import tpu as pltpu
from jax.experimental.pallas import tpu_sc as plsc

N = 10000
NP = 10240
E = 320000
D_IN = 128
D_HID = 128
D_OUT = 40
W1TAB = 136

NC = 2
NS = 16
EPAD = 16 * 158 * 128

BM = 512
BM3 = 2000


def _make_edge_scatter(d, k0, chunk, cps, split=None):
    mesh = plsc.VectorSubcoreMesh(core_axis_name="c", subcore_axis_name="s")
    rps = NP // NS
    k1 = cps - k0
    out_type = (jax.ShapeDtypeStruct((NC, NP, d), jnp.float32) if split is None
                else tuple(jax.ShapeDtypeStruct((NC, NP, w), jnp.float32)
                           for w in split))

    @functools.partial(
        pl.kernel,
        mesh=mesh,
        compiler_params=pltpu.CompilerParams(use_tc_tiling_on_sc=False),
        out_type=out_type,
        scratch_types=[
            pltpu.VMEM((k0, chunk), jnp.int32),
            pltpu.VMEM((k0, chunk), jnp.int32),
            pltpu.VMEM((chunk, d), jnp.float32),
            pltpu.VMEM_SHARED((NP, d), jnp.float32),
            pltpu.SemaphoreType.DMA,
        ],
    )
    def edge_scatter(tab_hbm, src_hbm, dst_hbm, *rest):
        if split is None:
            out_refs = rest[:1]
        else:
            out_refs = rest[:2]
        src_v, dst_v, rows_v, acc, gsem = rest[len(out_refs):]
        cid = lax.axis_index("c")
        sid = lax.axis_index("s")

        zcols = list(range(0, d - 16, 16)) + [d - 16]

        def zrow(r, carry):
            for c in zcols:
                rows_v[r, pl.ds(c, 16)] = jnp.zeros((16,), jnp.float32)
            return carry

        lax.fori_loop(0, 128, zrow, 0)
        for t in range(rps // 128):
            pltpu.sync_copy(rows_v.at[pl.ds(0, 128)],
                            acc.at[pl.ds(sid * rps + t * 128, 128)])

        @pl.when(cid == 0)
        def _():
            pltpu.sync_copy(src_hbm.at[sid, pl.ds(0, k0)], src_v)
            pltpu.sync_copy(dst_hbm.at[sid, pl.ds(0, k0)], dst_v)

        @pl.when(cid != 0)
        def _():
            pltpu.sync_copy(src_hbm.at[sid, pl.ds(k0, k1)],
                            src_v.at[pl.ds(0, k1)])
            pltpu.sync_copy(dst_hbm.at[sid, pl.ds(k0, k1)],
                            dst_v.at[pl.ds(0, k1)])

        plsc.subcore_barrier()
        nch = jnp.where(cid == 0, k0, k1)

        def body(j, carry):
            pltpu.async_copy(tab_hbm.at[src_v.at[j]], rows_v, gsem).wait()
            pltpu.sync_copy(rows_v, acc.at[dst_v.at[j]], add=True)
            return carry

        lax.fori_loop(0, nch, body, 0)
        plsc.subcore_barrier()
        if split is None:
            pltpu.sync_copy(acc.at[pl.ds(sid * rps, rps)],
                            out_refs[0].at[cid, pl.ds(sid * rps, rps)])
        else:
            col = 0
            for w, out_hbm in zip(split, out_refs):
                pltpu.sync_copy(acc.at[pl.ds(sid * rps, rps), pl.ds(col, w)],
                                out_hbm.at[cid, pl.ds(sid * rps, rps)])
                col += w

    return edge_scatter


_scatter1 = _make_edge_scatter(W1TAB, 103, 128, 158, split=(128, 8))
_scatter2 = _make_edge_scatter(D_OUT, 51, 256, 79)


def _mm1_body(x_ref, wl_ref, wr_ref, ytab_ref, yr_ref):
    i = pl.program_id(0)
    xb = x_ref[...]
    mm = jnp.dot(xb, wl_ref[...], preferred_element_type=jnp.float32)
    rows = i * BM + lax.broadcasted_iota(jnp.int32, (BM, 8), 0)
    cols = lax.broadcasted_iota(jnp.int32, (BM, 8), 1)
    ones = jnp.where((rows < N) & (cols == 0), 1.0, 0.0)
    ytab_ref[...] = jnp.concatenate([mm, ones], axis=1)
    yr_ref[...] = jnp.dot(xb, wr_ref[...], preferred_element_type=jnp.float32)


def _mid_body(a_ref, dg_ref, yr_ref, b1_ref, w2l_ref, w2r_ref, b2_ref,
              y2_ref, r2_ref, dinv_ref):
    i = pl.program_id(0)
    s = a_ref[0] + a_ref[1]
    deg = (dg_ref[0] + dg_ref[1])[:, :1]
    dinv = 1.0 / jnp.maximum(deg, 1.0)
    h = s * dinv + b1_ref[...] + yr_ref[...]
    h = jnp.maximum(h, 0.0)
    rows = i * BM + lax.broadcasted_iota(jnp.int32, (BM, D_HID), 0)
    h = jnp.where(rows < N, h, 0.0)
    y2_ref[...] = jnp.dot(h, w2l_ref[...], preferred_element_type=jnp.float32)
    r2_ref[...] = (jnp.dot(h, w2r_ref[...], preferred_element_type=jnp.float32)
                   + b2_ref[...])
    dinv_ref[...] = jnp.broadcast_to(dinv, (BM, 8))


def _out_body(a_ref, dinv_ref, r2_ref, o_ref):
    s = a_ref[0] + a_ref[1]
    o_ref[...] = s * dinv_ref[...][:, :1] + r2_ref[...]


def kernel(x, edge_index, W1_l, b1_l, W1_r, W2_l, b2_l, W2_r):
    src = edge_index[0].astype(jnp.int32)
    dst = edge_index[1].astype(jnp.int32)
    src_f = jnp.full((EPAD,), N, jnp.int32).at[:E].set(src)
    dst_f = jnp.zeros((EPAD,), jnp.int32).at[:E].set(dst)
    src_p = src_f.reshape(NS, 158, 128)
    dst_p = dst_f.reshape(NS, 158, 128)
    src_p2 = src_f.reshape(NS, 79, 256)
    dst_p2 = dst_f.reshape(NS, 79, 256)
    x_p = jnp.zeros((NP, D_IN), jnp.float32).at[:N].set(x)
    b1_2d = b1_l.reshape(1, D_HID)
    b2_2d = b2_l.reshape(1, D_OUT)

    ytab, yr1 = pl.pallas_call(
        _mm1_body,
        grid=(NP // BM,),
        in_specs=[
            pl.BlockSpec((BM, D_IN), lambda i: (i, 0)),
            pl.BlockSpec((D_IN, D_HID), lambda i: (0, 0)),
            pl.BlockSpec((D_IN, D_HID), lambda i: (0, 0)),
        ],
        out_specs=[
            pl.BlockSpec((BM, W1TAB), lambda i: (i, 0)),
            pl.BlockSpec((BM, D_HID), lambda i: (i, 0)),
        ],
        out_shape=[
            jax.ShapeDtypeStruct((NP, W1TAB), jnp.float32),
            jax.ShapeDtypeStruct((NP, D_HID), jnp.float32),
        ],
    )(x_p, W1_l, W1_r)

    acc1, deg1 = _scatter1(ytab, src_p, dst_p)

    y2tab, r2, dinv = pl.pallas_call(
        _mid_body,
        grid=(NP // BM,),
        in_specs=[
            pl.BlockSpec((NC, BM, D_HID), lambda i: (0, i, 0)),
            pl.BlockSpec((NC, BM, 8), lambda i: (0, i, 0)),
            pl.BlockSpec((BM, D_HID), lambda i: (i, 0)),
            pl.BlockSpec((1, D_HID), lambda i: (0, 0)),
            pl.BlockSpec((D_HID, D_OUT), lambda i: (0, 0)),
            pl.BlockSpec((D_HID, D_OUT), lambda i: (0, 0)),
            pl.BlockSpec((1, D_OUT), lambda i: (0, 0)),
        ],
        out_specs=[
            pl.BlockSpec((BM, D_OUT), lambda i: (i, 0)),
            pl.BlockSpec((BM, D_OUT), lambda i: (i, 0)),
            pl.BlockSpec((BM, 8), lambda i: (i, 0)),
        ],
        out_shape=[
            jax.ShapeDtypeStruct((NP, D_OUT), jnp.float32),
            jax.ShapeDtypeStruct((NP, D_OUT), jnp.float32),
            jax.ShapeDtypeStruct((NP, 8), jnp.float32),
        ],
    )(acc1, deg1, yr1, b1_2d, W2_l, W2_r, b2_2d)

    acc2 = _scatter2(y2tab, src_p2, dst_p2)

    out = pl.pallas_call(
        _out_body,
        grid=(N // BM3,),
        in_specs=[
            pl.BlockSpec((NC, BM3, D_OUT), lambda i: (0, i, 0)),
            pl.BlockSpec((BM3, 8), lambda i: (i, 0)),
            pl.BlockSpec((BM3, D_OUT), lambda i: (i, 0)),
        ],
        out_specs=pl.BlockSpec((BM3, D_OUT), lambda i: (i, 0)),
        out_shape=jax.ShapeDtypeStruct((N, D_OUT), jnp.float32),
    )(acc2, dinv, r2)

    return (out, edge_index)

# --- scband reference (transcript-rebuilt; emitter-appended) ---
"""Pipeline reference for scband-sageconvolution-72911364817007 (READ-ONLY COPY).

The authoritative reference and input builder live on the scoring server;
editing this copy changes nothing except your own understanding.
"""

import jax, jax.numpy as jnp
import numpy as np

N_NODES = 10000
N_EDGES = 320000
D_IN = 128
D_HID = 128
D_OUT = 40


def setup_inputs(seed: int = 0) -> dict:
    key = jax.random.key(seed)
    ks = jax.random.split(key, 8)
    x = jax.random.normal(ks[0], (N_NODES, D_IN), dtype=jnp.float32)
    edge_index = jax.random.randint(ks[1], (2, N_EDGES), 0, N_NODES)
    # SAGEConv layer 1 params (PyG-style: lin_l has bias, lin_r no bias)
    s1 = 1.0 / np.sqrt(D_IN)
    W1_l = jax.random.uniform(ks[2], (D_IN, D_HID), minval=-s1, maxval=s1, dtype=jnp.float32)
    b1_l = jnp.zeros((D_HID,), dtype=jnp.float32)
    W1_r = jax.random.uniform(ks[3], (D_IN, D_HID), minval=-s1, maxval=s1, dtype=jnp.float32)
    # SAGEConv layer 2 params
    s2 = 1.0 / np.sqrt(D_HID)
    W2_l = jax.random.uniform(ks[4], (D_HID, D_OUT), minval=-s2, maxval=s2, dtype=jnp.float32)
    b2_l = jnp.zeros((D_OUT,), dtype=jnp.float32)
    W2_r = jax.random.uniform(ks[5], (D_HID, D_OUT), minval=-s2, maxval=s2, dtype=jnp.float32)
    return {"x": x, "edge_index": edge_index, "W1_l": W1_l, "b1_l": b1_l, "W1_r": W1_r,
            "W2_l": W2_l, "b2_l": b2_l, "W2_r": W2_r}


def _sage_conv(x, edge_index, W_l, b_l, W_r):
    src = edge_index[0]
    dst = edge_index[1]
    msgs = jnp.take(x, src, axis=0)  # gather source-node features
    agg = jax.ops.segment_sum(msgs, dst, num_segments=x.shape[0])
    deg = jax.ops.segment_sum(jnp.ones((edge_index.shape[1],), dtype=x.dtype), dst, num_segments=x.shape[0])
    agg = agg / jnp.clip(deg, 1.0, None)[:, None]  # mean aggregation
    return agg @ W_l + b_l + x @ W_r


def reference(x, edge_index, W1_l, b1_l, W1_r, W2_l, b2_l, W2_r):
    h = jax.nn.relu(_sage_conv(x, edge_index, W1_l, b1_l, W1_r))
    # F.dropout with training=False (eval mode) is identity
    out = _sage_conv(h, edge_index, W2_l, b2_l, W2_r)
    return (out, edge_index)

if __name__ == "__main__":
    import jax
    _d = setup_inputs()
    print(jax.jit(kernel)(*tuple(_d.values())))

</pallas_src>

<mosaic_0001>
#map = affine_map<(d0, d1) -> (0, 0)>
#map1 = affine_map<(d0, d1) -> (0, 0, 0)>
module attributes {stable_mosaic.version = 14 : i64} {
  func.func @edge_scatter(%arg0: i32, %arg1: i32, %arg2: memref<10240x136xf32, #tpu.memory_space<hbm>>, %arg3: memref<16x158x128xi32, #tpu.memory_space<hbm>>, %arg4: memref<16x158x128xi32, #tpu.memory_space<hbm>>, %arg5: memref<2x10240x128xf32, #tpu.memory_space<hbm>>, %arg6: memref<2x10240x8xf32, #tpu.memory_space<hbm>>, %arg7: memref<103x128xi32, #tpu.memory_space<vmem>>, %arg8: memref<103x128xi32, #tpu.memory_space<vmem>>, %arg9: memref<128x136xf32, #tpu.memory_space<vmem>>, %arg10: memref<10240x136xf32, #tpu.memory_space<vmem_shared>>, %arg11: memref<!tpu.dma_semaphore, #tpu.memory_space<semaphore_mem>>) attributes {dimension_semantics = [#tpu.dimension_semantics<core_parallel>, #tpu.dimension_semantics<subcore_parallel>], iteration_bounds = array<i64: 2, 16>, scalar_prefetch = 0 : i64, scratch_operands = 5 : i64, tpu.core_type = #tpu.core_type<sc_vector_subcore>, window_params = [{transform_indices = #map}, {transform_indices = #map1}, {transform_indices = #map1}, {transform_indices = #map1}, {transform_indices = #map1}]} {
    %scan3A = arith.constant 0 : i32
    %scan3A_0 = arith.constant 0 : i32
    %scan3A_1 = arith.constant 128 : i32
    %scan3A_2 = arith.addi %scan3A_0, %scan3A_1 : i32
    %scan3A_3 = arith.constant 1 : i32
    scf.for %scan3A_50 = %scan3A_0 to %scan3A_2 step %scan3A_3  : i32 {
      %broadcast_in_dim3A = arith.constant 0.000000e+00 : f32
      %broadcast_in_dim3A_51 = vector.broadcast %broadcast_in_dim3A : f32 to vector<16xf32>
      %swap3A = arith.index_cast %scan3A_50 : i32 to index
      %swap3A_52 = arith.constant 0 : index
      %swap3A_53 = tpu.vector_load %arg9[%swap3A, %swap3A_52] {strides = array<i32>} : memref<128x136xf32, #tpu.memory_space<vmem>>, vector<1x16xf32>,
      %swap3A_54 = vector.shape_cast %swap3A_53 : vector<1x16xf32> to vector<16xf32>
      %swap3A_55 = vector.shape_cast %broadcast_in_dim3A_51 : vector<16xf32> to vector<1x16xf32>
      tpu.vector_store %arg9[%swap3A, %swap3A_52], %swap3A_55 {strides = array<i32>} : memref<128x136xf32, #tpu.memory_space<vmem>>, vector<1x16xf32>,
      %broadcast_in_dim3A_56 = arith.constant 0.000000e+00 : f32
      %broadcast_in_dim3A_57 = vector.broadcast %broadcast_in_dim3A_56 : f32 to vector<16xf32>
      %swap3A_58 = arith.index_cast %scan3A_50 : i32 to index
      %swap3A_59 = arith.constant 16 : index
      %swap3A_60 = tpu.vector_load %arg9[%swap3A_58, %swap3A_59] {strides = array<i32>} : memref<128x136xf32, #tpu.memory_space<vmem>>, vector<1x16xf32>,
      %swap3A_61 = vector.shape_cast %swap3A_60 : vector<1x16xf32> to vector<16xf32>
      %swap3A_62 = vector.shape_cast %broadcast_in_dim3A_57 : vector<16xf32> to vector<1x16xf32>
      tpu.vector_store %arg9[%swap3A_58, %swap3A_59], %swap3A_62 {strides = array<i32>} : memref<128x136xf32, #tpu.memory_space<vmem>>, vector<1x16xf32>,
      %broadcast_in_dim3A_63 = arith.constant 0.000000e+00 : f32
      %broadcast_in_dim3A_64 = vector.broadcast %broadcast_in_dim3A_63 : f32 to vector<16xf32>
      %swap3A_65 = arith.index_cast %scan3A_50 : i32 to index
      %swap3A_66 = arith.constant 32 : index
      %swap3A_67 = tpu.vector_load %arg9[%swap3A_65, %swap3A_66] {strides = array<i32>} : memref<128x136xf32, #tpu.memory_space<vmem>>, vector<1x16xf32>,
      %swap3A_68 = vector.shape_cast %swap3A_67 : vector<1x16xf32> to vector<16xf32>
      %swap3A_69 = vector.shape_cast %broadcast_in_dim3A_64 : vector<16xf32> to vector<1x16xf32>
      tpu.vector_store %arg9[%swap3A_65, %swap3A_66], %swap3A_69 {strides = array<i32>} : memref<128x136xf32, #tpu.memory_space<vmem>>, vector<1x16xf32>,
      %broadcast_in_dim3A_70 = arith.constant 0.000000e+00 : f32
      %broadcast_in_dim3A_71 = vector.broadcast %broadcast_in_dim3A_70 : f32 to vector<16xf32>
      %swap3A_72 = arith.index_cast %scan3A_50 : i32 to index
      %swap3A_73 = arith.constant 48 : index
      %swap3A_74 = tpu.vector_load %arg9[%swap3A_72, %swap3A_73] {strides = array<i32>} : memref<128x136xf32, #tpu.memory_space<vmem>>, vector<1x16xf32>,
      %swap3A_75 = vector.shape_cast %swap3A_74 : vector<1x16xf32> to vector<16xf32>
      %swap3A_76 = vector.shape_cast %broadcast_in_dim3A_71 : vector<16xf32> to vector<1x16xf32>
      tpu.vector_store %arg9[%swap3A_72, %swap3A_73], %swap3A_76 {strides = array<i32>} : memref<128x136xf32, #tpu.memory_space<vmem>>, vector<1x16xf32>,
      %broadcast_in_dim3A_77 = arith.constant 0.000000e+00 : f32
      %broadcast_in_dim3A_78 = vector.broadcast %broadcast_in_dim3A_77 : f32 to vector<16xf32>
      %swap3A_79 = arith.index_cast %scan3A_50 : i32 to index
      %swap3A_80 = arith.constant 64 : index
      %swap3A_81 = tpu.vector_load %arg9[%swap3A_79, %swap3A_80] {strides = array<i32>} : memref<128x136xf32, #tpu.memory_space<vmem>>, vector<1x16xf32>,
      %swap3A_82 = vector.shape_cast %swap3A_81 : vector<1x16xf32> to vector<16xf32>
      %swap3A_83 = vector.shape_cast %broadcast_in_dim3A_78 : vector<16xf32> to vector<1x16xf32>
      tpu.vector_store %arg9[%swap3A_79, %swap3A_80], %swap3A_83 {strides = array<i32>} : memref<128x136xf32, #tpu.memory_space<vmem>>, vector<1x16xf32>,
      %broadcast_in_dim3A_84 = arith.constant 0.000000e+00 : f32
      %broadcast_in_dim3A_85 = vector.broadcast %broadcast_in_dim3A_84 : f32 to vector<16xf32>
      %swap3A_86 = arith.index_cast %scan3A_50 : i32 to index
      %swap3A_87 = arith.constant 80 : index
      %swap3A_88 = tpu.vector_load %arg9[%swap3A_86, %swap3A_87] {strides = array<i32>} : memref<128x136xf32, #tpu.memory_space<vmem>>, vector<1x16xf32>,
      %swap3A_89 = vector.shape_cast %swap3A_88 : vector<1x16xf32> to vector<16xf32>
      %swap3A_90 = vector.shape_cast %broadcast_in_dim3A_85 : vector<16xf32> to vector<1x16xf32>
      tpu.vector_store %arg9[%swap3A_86, %swap3A_87], %swap3A_90 {strides = array<i32>} : memref<128x136xf32, #tpu.memory_space<vmem>>, vector<1x16xf32>,
      %broadcast_in_dim3A_91 = arith.constant 0.000000e+00 : f32
      %broadcast_in_dim3A_92 = vector.broadcast %broadcast_in_dim3A_91 : f32 to vector<16xf32>
      %swap3A_93 = arith.index_cast %scan3A_50 : i32 to index
      %swap3A_94 = arith.constant 96 : index
      %swap3A_95 = tpu.vector_load %arg9[%swap3A_93, %swap3A_94] {strides = array<i32>} : memref<128x136xf32, #tpu.memory_space<vmem>>, vector<1x16xf32>,
      %swap3A_96 = vector.shape_cast %swap3A_95 : vector<1x16xf32> to vector<16xf32>
      %swap3A_97 = vector.shape_cast %broadcast_in_dim3A_92 : vector<16xf32> to vector<1x16xf32>
      tpu.vector_store %arg9[%swap3A_93, %swap3A_94], %swap3A_97 {strides = array<i32>} : memref<128x136xf32, #tpu.memory_space<vmem>>, vector<1x16xf32>,
      %broadcast_in_dim3A_98 = arith.constant 0.000000e+00 : f32
      %broadcast_in_dim3A_99 = vector.broadcast %broadcast_in_dim3A_98 : f32 to vector<16xf32>
      %swap3A_100 = arith.index_cast %scan3A_50 : i32 to index
      %swap3A_101 = arith.constant 112 : index
      %swap3A_102 = tpu.vector_load %arg9[%swap3A_100, %swap3A_101] {strides = array<i32>} : memref<128x136xf32, #tpu.memory_space<vmem>>, vector<1x16xf32>,
      %swap3A_103 = vector.shape_cast %swap3A_102 : vector<1x16xf32> to vector<16xf32>
      %swap3A_104 = vector.shape_cast %broadcast_in_dim3A_99 : vector<16xf32> to vector<1x16xf32>
      tpu.vector_store %arg9[%swap3A_100, %swap3A_101], %swap3A_104 {strides = array<i32>} : memref<128x136xf32, #tpu.memory_space<vmem>>, vector<1x16xf32>,
      %broadcast_in_dim3A_105 = arith.constant 0.000000e+00 : f32
      %broadcast_in_dim3A_106 = vector.broadcast %broadcast_in_dim3A_105 : f32 to vector<16xf32>
      %swap3A_107 = arith.index_cast %scan3A_50 : i32 to index
      %swap3A_108 = arith.constant 120 : index
      %swap3A_109 = tpu.vector_load %arg9[%swap3A_107, %swap3A_108] {strides = array<i32>} : memref<128x136xf32, #tpu.memory_space<vmem>>, vector<1x16xf32>,
      %swap3A_110 = vector.shape_cast %swap3A_109 : vector<1x16xf32> to vector<16xf32>
      %swap3A_111 = vector.shape_cast %broadcast_in_dim3A_106 : vector<16xf32> to vector<1x16xf32>
      tpu.vector_store %arg9[%swap3A_107, %swap3A_108], %swap3A_111 {strides = array<i32>} : memref<128x136xf32, #tpu.memory_space<vmem>>, vector<1x16xf32>,
    }
    %scan3A_4 = arith.constant 128 : i32
    %mul3A = arith.constant 640 : i32
    %mul3A_5 = arith.muli %arg1, %mul3A : i32
    %add3A = arith.constant 0 : i32
    %add3A_6 = arith.addi %mul3A_5, %add3A : i32
    "tpu.region"() ({
      %run_scoped3A = tpu.sem_alloc : memref<!tpu.dma_semaphore, #tpu.memory_space<semaphore_mem>>
      %dma_start3A = arith.constant 0 : i32
      %dma_start3A_50 = arith.constant 0 : i32
      %dma_start3A_51 = tpu.memref_slice %arg9[%dma_start3A, %dma_start3A_50] : memref<128x136xf32, #tpu.memory_space<vmem>> -> memref<128x136xf32, #tpu.memory_space<vmem>>
      %dma_start3A_52 = arith.constant 0 : i32
      %dma_start3A_53 = tpu.memref_slice %arg10[%add3A_6, %dma_start3A_52] : memref<10240x136xf32, #tpu.memory_space<vmem_shared>> -> memref<128x136xf32, #tpu.memory_space<vmem_shared>>
      %dma_start3A_54 = arith.constant 0 : i32
      %dma_start3A_55 = tpu.memref_slice %arg10[%add3A_6, %dma_start3A_54] : memref<10240x136xf32, #tpu.memory_space<vmem_shared>> -> memref<128x136xf32, #tpu.memory_space<vmem_shared>>
      %dma_start3A_56 = arith.constant 0 : i32
      %dma_start3A_57 = arith.constant 0 : i32
      %dma_start3A_58 = tpu.memref_slice %arg9[%dma_start3A_56, %dma_start3A_57] : memref<128x136xf32, #tpu.memory_space<vmem>> -> memref<128x136xf32, #tpu.memory_space<vmem>>
      tpu.enqueue_dma source(%dma_start3A_58 : memref<128x136xf32, #tpu.memory_space<vmem>>) target(%dma_start3A_55 : memref<128x136xf32, #tpu.memory_space<vmem_shared>>) target_semaphore(%run_scoped3A : memref<!tpu.dma_semaphore, #tpu.memory_space<semaphore_mem>>)
      %dma_wait3A = arith.constant 0 : i32
      %dma_wait3A_59 = arith.constant 0 : i32
      %dma_wait3A_60 = tpu.memref_slice %arg9[%dma_wait3A, %dma_wait3A_59] : memref<128x136xf32, #tpu.memory_space<vmem>> -> memref<128x136xf32, #tpu.memory_space<vmem>>
      %dma_wait3A_61 = arith.constant 0 : i32
      %dma_wait3A_62 = tpu.memref_slice %arg10[%add3A_6, %dma_wait3A_61] : memref<10240x136xf32, #tpu.memory_space<vmem_shared>> -> memref<128x136xf32, #tpu.memory_space<vmem_shared>>
      %dma_wait3A_63 = arith.constant 0 : i32
      %dma_wait3A_64 = tpu.memref_slice %arg10[%add3A_6, %dma_wait3A_63] : memref<10240x136xf32, #tpu.memory_space<vmem_shared>> -> memref<128x136xf32, #tpu.memory_space<vmem_shared>>
      %dma_wait3A_65 = arith.constant 0 : i32
      %dma_wait3A_66 = arith.constant 0 : i32
      %dma_wait3A_67 = tpu.memref_slice %arg9[%dma_wait3A_65, %dma_wait3A_66] : memref<128x136xf32, #tpu.memory_space<vmem>> -> memref<128x136xf32, #tpu.memory_space<vmem>>
      tpu.wait_dma2 semaphore(%run_scoped3A : memref<!tpu.dma_semaphore, #tpu.memory_space<semaphore_mem>>) src(%dma_wait3A_67 : memref<128x136xf32, #tpu.memory_space<vmem>>) dst(%dma_wait3A_64 : memref<128x136xf32, #tpu.memory_space<vmem_shared>>)
      tpu.yield
    }) : () -> ()
    %mul3A_7 = arith.constant 640 : i32
    %mul3A_8 = arith.muli %arg1, %mul3A_7 : i32
    %add3A_9 = arith.constant 128 : i32
    %add3A_10 = arith.addi %mul3A_8, %add3A_9 : i32
    "tpu.region"() ({
      %run_scoped3A = tpu.sem_alloc : memref<!tpu.dma_semaphore, #tpu.memory_space<semaphore_mem>>
      %dma_start3A = arith.constant 0 : i32
      %dma_start3A_50 = arith.constant 0 : i32
      %dma_start3A_51 = tpu.memref_slice %arg9[%dma_start3A, %dma_start3A_50] : memref<128x136xf32, #tpu.memory_space<vmem>> -> memref<128x136xf32, #tpu.memory_space<vmem>>
      %dma_start3A_52 = arith.constant 0 : i32
      %dma_start3A_53 = tpu.memref_slice %arg10[%add3A_10, %dma_start3A_52] : memref<10240x136xf32, #tpu.memory_space<vmem_shared>> -> memref<128x136xf32, #tpu.memory_space<vmem_shared>>
      %dma_start3A_54 = arith.constant 0 : i32
      %dma_start3A_55 = tpu.memref_slice %arg10[%add3A_10, %dma_start3A_54] : memref<10240x136xf32, #tpu.memory_space<vmem_shared>> -> memref<128x136xf32, #tpu.memory_space<vmem_shared>>
      %dma_start3A_56 = arith.constant 0 : i32
      %dma_start3A_57 = arith.constant 0 : i32
      %dma_start3A_58 = tpu.memref_slice %arg9[%dma_start3A_56, %dma_start3A_57] : memref<128x136xf32, #tpu.memory_space<vmem>> -> memref<128x136xf32, #tpu.memory_space<vmem>>
      tpu.enqueue_dma source(%dma_start3A_58 : memref<128x136xf32, #tpu.memory_space<vmem>>) target(%dma_start3A_55 : memref<128x136xf32, #tpu.memory_space<vmem_shared>>) target_semaphore(%run_scoped3A : memref<!tpu.dma_semaphore, #tpu.memory_space<semaphore_mem>>)
      %dma_wait3A = arith.constant 0 : i32
      %dma_wait3A_59 = arith.constant 0 : i32
      %dma_wait3A_60 = tpu.memref_slice %arg9[%dma_wait3A, %dma_wait3A_59] : memref<128x136xf32, #tpu.memory_space<vmem>> -> memref<128x136xf32, #tpu.memory_space<vmem>>
      %dma_wait3A_61 = arith.constant 0 : i32
      %dma_wait3A_62 = tpu.memref_slice %arg10[%add3A_10, %dma_wait3A_61] : memref<10240x136xf32, #tpu.memory_space<vmem_shared>> -> memref<128x136xf32, #tpu.memory_space<vmem_shared>>
      %dma_wait3A_63 = arith.constant 0 : i32
      %dma_wait3A_64 = tpu.memref_slice %arg10[%add3A_10, %dma_wait3A_63] : memref<10240x136xf32, #tpu.memory_space<vmem_shared>> -> memref<128x136xf32, #tpu.memory_space<vmem_shared>>
      %dma_wait3A_65 = arith.constant 0 : i32
      %dma_wait3A_66 = arith.constant 0 : i32
      %dma_wait3A_67 = tpu.memref_slice %arg9[%dma_wait3A_65, %dma_wait3A_66] : memref<128x136xf32, #tpu.memory_space<vmem>> -> memref<128x136xf32, #tpu.memory_space<vmem>>
      tpu.wait_dma2 semaphore(%run_scoped3A : memref<!tpu.dma_semaphore, #tpu.memory_space<semaphore_mem>>) src(%dma_wait3A_67 : memref<128x136xf32, #tpu.memory_space<vmem>>) dst(%dma_wait3A_64 : memref<128x136xf32, #tpu.memory_space<vmem_shared>>)
      tpu.yield
    }) : () -> ()
    %mul3A_11 = arith.constant 640 : i32
    %mul3A_12 = arith.muli %arg1, %mul3A_11 : i32
    %add3A_13 = arith.constant 256 : i32
    %add3A_14 = arith.addi %mul3A_12, %add3A_13 : i32
    "tpu.region"() ({
      %run_scoped3A = tpu.sem_alloc : memref<!tpu.dma_semaphore, #tpu.memory_space<semaphore_mem>>
      %dma_start3A = arith.constant 0 : i32
      %dma_start3A_50 = arith.constant 0 : i32
      %dma_start3A_51 = tpu.memref_slice %arg9[%dma_start3A, %dma_start3A_50] : memref<128x136xf32, #tpu.memory_space<vmem>> -> memref<128x136xf32, #tpu.memory_space<vmem>>
      %dma_start3A_52 = arith.constant 0 : i32
      %dma_start3A_53 = tpu.memref_slice %arg10[%add3A_14, %dma_start3A_52] : memref<10240x136xf32, #tpu.memory_space<vmem_shared>> -> memref<128x136xf32, #tpu.memory_space<vmem_shared>>
      %dma_start3A_54 = arith.constant 0 : i32
      %dma_start3A_55 = tpu.memref_slice %arg10[%add3A_14, %dma_start3A_54] : memref<10240x136xf32, #tpu.memory_space<vmem_shared>> -> memref<128x136xf32, #tpu.memory_space<vmem_shared>>
      %dma_start3A_56 = arith.constant 0 : i32
      %dma_start3A_57 = arith.constant 0 : i32
      %dma_start3A_58 = tpu.memref_slice %arg9[%dma_start3A_56, %dma_start3A_57] : memref<128x136xf32, #tpu.memory_space<vmem>> -> memref<128x136xf32, #tpu.memory_space<vmem>>
      tpu.enqueue_dma source(%dma_start3A_58 : memref<128x136xf32, #tpu.memory_space<vmem>>) target(%dma_start3A_55 : memref<128x136xf32, #tpu.memory_space<vmem_shared>>) target_semaphore(%run_scoped3A : memref<!tpu.dma_semaphore, #tpu.memory_space<semaphore_mem>>)
      %dma_wait3A = arith.constant 0 : i32
      %dma_wait3A_59 = arith.constant 0 : i32
      %dma_wait3A_60 = tpu.memref_slice %arg9[%dma_wait3A, %dma_wait3A_59] : memref<128x136xf32, #tpu.memory_space<vmem>> -> memref<128x136xf32, #tpu.memory_space<vmem>>
      %dma_wait3A_61 = arith.constant 0 : i32
      %dma_wait3A_62 = tpu.memref_slice %arg10[%add3A_14, %dma_wait3A_61] : memref<10240x136xf32, #tpu.memory_space<vmem_shared>> -> memref<128x136xf32, #tpu.memory_space<vmem_shared>>
      %dma_wait3A_63 = arith.constant 0 : i32
      %dma_wait3A_64 = tpu.memref_slice %arg10[%add3A_14, %dma_wait3A_63] : memref<10240x136xf32, #tpu.memory_space<vmem_shared>> -> memref<128x136xf32, #tpu.memory_space<vmem_shared>>
      %dma_wait3A_65 = arith.constant 0 : i32
      %dma_wait3A_66 = arith.constant 0 : i32
      %dma_wait3A_67 = tpu.memref_slice %arg9[%dma_wait3A_65, %dma_wait3A_66] : memref<128x136xf32, #tpu.memory_space<vmem>> -> memref<128x136xf32, #tpu.memory_space<vmem>>
      tpu.wait_dma2 semaphore(%run_scoped3A : memref<!tpu.dma_semaphore, #tpu.memory_space<semaphore_mem>>) src(%dma_wait3A_67 : memref<128x136xf32, #tpu.memory_space<vmem>>) dst(%dma_wait3A_64 : memref<128x136xf32, #tpu.memory_space<vmem_shared>>)
      tpu.yield
    }) : () -> ()
    %mul3A_15 = arith.constant 640 : i32
    %mul3A_16 = arith.muli %arg1, %mul3A_15 : i32
    %add3A_17 = arith.constant 384 : i32
    %add3A_18 = arith.addi %mul3A_16, %add3A_17 : i32
    "tpu.region"() ({
      %run_scoped3A = tpu.sem_alloc : memref<!tpu.dma_semaphore, #tpu.memory_space<semaphore_mem>>
      %dma_start3A = arith.constant 0 : i32
      %dma_start3A_50 = arith.constant 0 : i32
      %dma_start3A_51 = tpu.memref_slice %arg9[%dma_start3A, %dma_start3A_50] : memref<128x136xf32, #tpu.memory_space<vmem>> -> memref<128x136xf32, #tpu.memory_space<vmem>>
      %dma_start3A_52 = arith.constant 0 : i32
      %dma_start3A_53 = tpu.memref_slice %arg10[%add3A_18, %dma_start3A_52] : memref<10240x136xf32, #tpu.memory_space<vmem_shared>> -> memref<128x136xf32, #tpu.memory_space<vmem_shared>>
      %dma_start3A_54 = arith.constant 0 : i32
      %dma_start3A_55 = tpu.memref_slice %arg10[%add3A_18, %dma_start3A_54] : memref<10240x136xf32, #tpu.memory_space<vmem_shared>> -> memref<128x136xf32, #tpu.memory_space<vmem_shared>>
      %dma_start3A_56 = arith.constant 0 : i32
      %dma_start3A_57 = arith.constant 0 : i32
      %dma_start3A_58 = tpu.memref_slice %arg9[%dma_start3A_56, %dma_start3A_57] : memref<128x136xf32, #tpu.memory_space<vmem>> -> memref<128x136xf32, #tpu.memory_space<vmem>>
      tpu.enqueue_dma source(%dma_start3A_58 : memref<128x136xf32, #tpu.memory_space<vmem>>) target(%dma_start3A_55 : memref<128x136xf32, #tpu.memory_space<vmem_shared>>) target_semaphore(%run_scoped3A : memref<!tpu.dma_semaphore, #tpu.memory_space<semaphore_mem>>)
      %dma_wait3A = arith.constant 0 : i32
      %dma_wait3A_59 = arith.constant 0 : i32
      %dma_wait3A_60 = tpu.memref_slice %arg9[%dma_wait3A, %dma_wait3A_59] : memref<128x136xf32, #tpu.memory_space<vmem>> -> memref<128x136xf32, #tpu.memory_space<vmem>>
      %dma_wait3A_61 = arith.constant 0 : i32
      %dma_wait3A_62 = tpu.memref_slice %arg10[%add3A_18, %dma_wait3A_61] : memref<10240x136xf32, #tpu.memory_space<vmem_shared>> -> memref<128x136xf32, #tpu.memory_space<vmem_shared>>
      %dma_wait3A_63 = arith.constant 0 : i32
      %dma_wait3A_64 = tpu.memref_slice %arg10[%add3A_18, %dma_wait3A_63] : memref<10240x136xf32, #tpu.memory_space<vmem_shared>> -> memref<128x136xf32, #tpu.memory_space<vmem_shared>>
      %dma_wait3A_65 = arith.constant 0 : i32
      %dma_wait3A_66 = arith.constant 0 : i32
      %dma_wait3A_67 = tpu.memref_slice %arg9[%dma_wait3A_65, %dma_wait3A_66] : memref<128x136xf32, #tpu.memory_space<vmem>> -> memref<128x136xf32, #tpu.memory_space<vmem>>
      tpu.wait_dma2 semaphore(%run_scoped3A : memref<!tpu.dma_semaphore, #tpu.memory_space<semaphore_mem>>) src(%dma_wait3A_67 : memref<128x136xf32, #tpu.memory_space<vmem>>) dst(%dma_wait3A_64 : memref<128x136xf32, #tpu.memory_space<vmem_shared>>)
      tpu.yield
    }) : () -> ()
    %mul3A_19 = arith.constant 640 : i32
    %mul3A_20 = arith.muli %arg1, %mul3A_19 : i32
    %add3A_21 = arith.constant 512 : i32
    %add3A_22 = arith.addi %mul3A_20, %add3A_21 : i32
    "tpu.region"() ({
      %run_scoped3A = tpu.sem_alloc : memref<!tpu.dma_semaphore, #tpu.memory_space<semaphore_mem>>
      %dma_start3A = arith.constant 0 : i32
      %dma_start3A_50 = arith.constant 0 : i32
      %dma_start3A_51 = tpu.memref_slice %arg9[%dma_start3A, %dma_start3A_50] : memref<128x136xf32, #tpu.memory_space<vmem>> -> memref<128x136xf32, #tpu.memory_space<vmem>>
      %dma_start3A_52 = arith.constant 0 : i32
      %dma_start3A_53 = tpu.memref_slice %arg10[%add3A_22, %dma_start3A_52] : memref<10240x136xf32, #tpu.memory_space<vmem_shared>> -> memref<128x136xf32, #tpu.memory_space<vmem_shared>>
      %dma_start3A_54 = arith.constant 0 : i32
      %dma_start3A_55 = tpu.memref_slice %arg10[%add3A_22, %dma_start3A_54] : memref<10240x136xf32, #tpu.memory_space<vmem_shared>> -> memref<128x136xf32, #tpu.memory_space<vmem_shared>>
      %dma_start3A_56 = arith.constant 0 : i32
      %dma_start3A_57 = arith.constant 0 : i32
      %dma_start3A_58 = tpu.memref_slice %arg9[%dma_start3A_56, %dma_start3A_57] : memref<128x136xf32, #tpu.memory_space<vmem>> -> memref<128x136xf32, #tpu.memory_space<vmem>>
      tpu.enqueue_dma source(%dma_start3A_58 : memref<128x136xf32, #tpu.memory_space<vmem>>) target(%dma_start3A_55 : memref<128x136xf32, #tpu.memory_space<vmem_shared>>) target_semaphore(%run_scoped3A : memref<!tpu.dma_semaphore, #tpu.memory_space<semaphore_mem>>)
      %dma_wait3A = arith.constant 0 : i32
      %dma_wait3A_59 = arith.constant 0 : i32
      %dma_wait3A_60 = tpu.memref_slice %arg9[%dma_wait3A, %dma_wait3A_59] : memref<128x136xf32, #tpu.memory_space<vmem>> -> memref<128x136xf32, #tpu.memory_space<vmem>>
      %dma_wait3A_61 = arith.constant 0 : i32
      %dma_wait3A_62 = tpu.memref_slice %arg10[%add3A_22, %dma_wait3A_61] : memref<10240x136xf32, #tpu.memory_space<vmem_shared>> -> memref<128x136xf32, #tpu.memory_space<vmem_shared>>
      %dma_wait3A_63 = arith.constant 0 : i32
      %dma_wait3A_64 = tpu.memref_slice %arg10[%add3A_22, %dma_wait3A_63] : memref<10240x136xf32, #tpu.memory_space<vmem_shared>> -> memref<128x136xf32, #tpu.memory_space<vmem_shared>>
      %dma_wait3A_65 = arith.constant 0 : i32
      %dma_wait3A_66 = arith.constant 0 : i32
      %dma_wait3A_67 = tpu.memref_slice %arg9[%dma_wait3A_65, %dma_wait3A_66] : memref<128x136xf32, #tpu.memory_space<vmem>> -> memref<128x136xf32, #tpu.memory_space<vmem>>
      tpu.wait_dma2 semaphore(%run_scoped3A : memref<!tpu.dma_semaphore, #tpu.memory_space<semaphore_mem>>) src(%dma_wait3A_67 : memref<128x136xf32, #tpu.memory_space<vmem>>) dst(%dma_wait3A_64 : memref<128x136xf32, #tpu.memory_space<vmem_shared>>)
      tpu.yield
    }) : () -> ()
    %eq3A = arith.constant 0 : i32
    %eq3A_23 = arith.cmpi eq, %arg0, %eq3A : i32
    %convert_element_type3A = arith.extui %eq3A_23 : i1 to i32
    %cond3A = arith.constant 0 : i32
    %cond3A_24 = arith.cmpi ne, %convert_element_type3A, %cond3A : i32
    scf.if %cond3A_24 {
      "tpu.region"() ({
        %run_scoped3A = tpu.sem_alloc : memref<!tpu.dma_semaphore, #tpu.memory_space<semaphore_mem>>
        %dma_start3A = arith.constant 0 : i32
        %dma_start3A_50 = arith.constant 0 : i32
        %dma_start3A_51 = tpu.memref_slice %arg3[%arg1, %dma_start3A, %dma_start3A_50] : memref<16x158x128xi32, #tpu.memory_space<hbm>> -> memref<1x103x128xi32, #tpu.memory_space<hbm>>
        %dma_start3A_52 = tpu.memref_squeeze %dma_start3A_51 : memref<1x103x128xi32, #tpu.memory_space<hbm>> -> memref<103x128xi32, #tpu.memory_space<hbm>>
        %dma_start3A_53 = arith.constant 0 : i32
        %dma_start3A_54 = arith.constant 0 : i32
        %dma_start3A_55 = tpu.memref_slice %arg3[%arg1, %dma_start3A_53, %dma_start3A_54] : memref<16x158x128xi32, #tpu.memory_space<hbm>> -> memref<1x103x128xi32, #tpu.memory_space<hbm>>
        %dma_start3A_56 = tpu.memref_squeeze %dma_start3A_55 : memref<1x103x128xi32, #tpu.memory_space<hbm>> -> memref<103x128xi32, #tpu.memory_space<hbm>>
        tpu.enqueue_dma source(%dma_start3A_56 : memref<103x128xi32, #tpu.memory_space<hbm>>) target(%arg7 : memref<103x128xi32, #tpu.memory_space<vmem>>) target_semaphore(%run_scoped3A : memref<!tpu.dma_semaphore, #tpu.memory_space<semaphore_mem>>)
        %dma_wait3A = arith.constant 0 : i32
        %dma_wait3A_57 = arith.constant 0 : i32
        %dma_wait3A_58 = tpu.memref_slice %arg3[%arg1, %dma_wait3A, %dma_wait3A_57] : memref<16x158x128xi32, #tpu.memory_space<hbm>> -> memref<1x103x128xi32, #tpu.memory_space<hbm>>
        %dma_wait3A_59 = tpu.memref_squeeze %dma_wait3A_58 : memref<1x103x128xi32, #tpu.memory_space<hbm>> -> memref<103x128xi32, #tpu.memory_space<hbm>>
        %dma_wait3A_60 = arith.constant 0 : i32
        %dma_wait3A_61 = arith.constant 0 : i32
        %dma_wait3A_62 = tpu.memref_slice %arg3[%arg1, %dma_wait3A_60, %dma_wait3A_61] : memref<16x158x128xi32, #tpu.memory_space<hbm>> -> memref<1x103x128xi32, #tpu.memory_space<hbm>>
        %dma_wait3A_63 = tpu.memref_squeeze %dma_wait3A_62 : memref<1x103x128xi32, #tpu.memory_space<hbm>> -> memref<103x128xi32, #tpu.memory_space<hbm>>
        tpu.wait_dma2 semaphore(%run_scoped3A : memref<!tpu.dma_semaphore, #tpu.memory_space<semaphore_mem>>) src(%dma_wait3A_63 : memref<103x128xi32, #tpu.memory_space<hbm>>) dst(%arg7 : memref<103x128xi32, #tpu.memory_space<vmem>>)
        tpu.yield
      }) : () -> ()
      "tpu.region"() ({
        %run_scoped3A = tpu.sem_alloc : memref<!tpu.dma_semaphore, #tpu.memory_space<semaphore_mem>>
        %dma_start3A = arith.constant 0 : i32
        %dma_start3A_50 = arith.constant 0 : i32
        %dma_start3A_51 = tpu.memref_slice %arg4[%arg1, %dma_start3A, %dma_start3A_50] : memref<16x158x128xi32, #tpu.memory_space<hbm>> -> memref<1x103x128xi32, #tpu.memory_space<hbm>>
        %dma_start3A_52 = tpu.memref_squeeze %dma_start3A_51 : memref<1x103x128xi32, #tpu.memory_space<hbm>> -> memref<103x128xi32, #tpu.memory_space<hbm>>
        %dma_start3A_53 = arith.constant 0 : i32
        %dma_start3A_54 = arith.constant 0 : i32
        %dma_start3A_55 = tpu.memref_slice %arg4[%arg1, %dma_start3A_53, %dma_start3A_54] : memref<16x158x128xi32, #tpu.memory_space<hbm>> -> memref<1x103x128xi32, #tpu.memory_space<hbm>>
        %dma_start3A_56 = tpu.memref_squeeze %dma_start3A_55 : memref<1x103x128xi32, #tpu.memory_space<hbm>> -> memref<103x128xi32, #tpu.memory_space<hbm>>
        tpu.enqueue_dma source(%dma_start3A_56 : memref<103x128xi32, #tpu.memory_space<hbm>>) target(%arg8 : memref<103x128xi32, #tpu.memory_space<vmem>>) target_semaphore(%run_scoped3A : memref<!tpu.dma_semaphore, #tpu.memory_space<semaphore_mem>>)
        %dma_wait3A = arith.constant 0 : i32
        %dma_wait3A_57 = arith.constant 0 : i32
        %dma_wait3A_58 = tpu.memref_slice %arg4[%arg1, %dma_wait3A, %dma_wait3A_57] : memref<16x158x128xi32, #tpu.memory_space<hbm>> -> memref<1x103x128xi32, #tpu.memory_space<hbm>>
        %dma_wait3A_59 = tpu.memref_squeeze %dma_wait3A_58 : memref<1x103x128xi32, #tpu.memory_space<hbm>> -> memref<103x128xi32, #tpu.memory_space<hbm>>
        %dma_wait3A_60 = arith.constant 0 : i32
        %dma_wait3A_61 = arith.constant 0 : i32
        %dma_wait3A_62 = tpu.memref_slice %arg4[%arg1, %dma_wait3A_60, %dma_wait3A_61] : memref<16x158x128xi32, #tpu.memory_space<hbm>> -> memref<1x103x128xi32, #tpu.memory_space<hbm>>
        %dma_wait3A_63 = tpu.memref_squeeze %dma_wait3A_62 : memref<1x103x128xi32, #tpu.memory_space<hbm>> -> memref<103x128xi32, #tpu.memory_space<hbm>>
        tpu.wait_dma2 semaphore(%run_scoped3A : memref<!tpu.dma_semaphore, #tpu.memory_space<semaphore_mem>>) src(%dma_wait3A_63 : memref<103x128xi32, #tpu.memory_space<hbm>>) dst(%arg8 : memref<103x128xi32, #tpu.memory_space<vmem>>)
        tpu.yield
      }) : () -> ()
    } else {
    }
    %ne3A = arith.constant 0 : i32
    %ne3A_25 = arith.cmpi ne, %arg0, %ne3A : i32
    %convert_element_type3A_26 = arith.extui %ne3A_25 : i1 to i32
    %cond3A_27 = arith.constant 0 : i32
    %cond3A_28 = arith.cmpi ne, %convert_element_type3A_26, %cond3A_27 : i32
    scf.if %cond3A_28 {
      "tpu.region"() ({
        %run_scoped3A = tpu.sem_alloc : memref<!tpu.dma_semaphore, #tpu.memory_space<semaphore_mem>>
        %dma_start3A = arith.constant 0 : i32
        %dma_start3A_50 = arith.constant 0 : i32
        %dma_start3A_51 = tpu.memref_slice %arg7[%dma_start3A, %dma_start3A_50] : memref<103x128xi32, #tpu.memory_space<vmem>> -> memref<55x128xi32, #tpu.memory_space<vmem>>
        %dma_start3A_52 = arith.constant 103 : i32
        %dma_start3A_53 = arith.constant 0 : i32
        %dma_start3A_54 = tpu.memref_slice %arg3[%arg1, %dma_start3A_52, %dma_start3A_53] : memref<16x158x128xi32, #tpu.memory_space<hbm>> -> memref<1x55x128xi32, #tpu.memory_space<hbm>>
        %dma_start3A_55 = tpu.memref_squeeze %dma_start3A_54 : memref<1x55x128xi32, #tpu.memory_space<hbm>> -> memref<55x128xi32, #tpu.memory_space<hbm>>
        %dma_start3A_56 = arith.constant 0 : i32
        %dma_start3A_57 = arith.constant 0 : i32
        %dma_start3A_58 = tpu.memref_slice %arg7[%dma_start3A_56, %dma_start3A_57] : memref<103x128xi32, #tpu.memory_space<vmem>> -> memref<55x128xi32, #tpu.memory_space<vmem>>
        %dma_start3A_59 = arith.constant 103 : i32
        %dma_start3A_60 = arith.constant 0 : i32
        %dma_start3A_61 = tpu.memref_slice %arg3[%arg1, %dma_start3A_59, %dma_start3A_60] : memref<16x158x128xi32, #tpu.memory_space<hbm>> -> memref<1x55x128xi32, #tpu.memory_space<hbm>>
        %dma_start3A_62 = tpu.memref_squeeze %dma_start3A_61 : memref<1x55x128xi32, #tpu.memory_space<hbm>> -> memref<55x128xi32, #tpu.memory_space<hbm>>
        tpu.enqueue_dma source(%dma_start3A_62 : memref<55x128xi32, #tpu.memory_space<hbm>>) target(%dma_start3A_58 : memref<55x128xi32, #tpu.memory_space<vmem>>) target_semaphore(%run_scoped3A : memref<!tpu.dma_semaphore, #tpu.memory_space<semaphore_mem>>)
        %dma_wait3A = arith.constant 0 : i32
        %dma_wait3A_63 = arith.constant 0 : i32
        %dma_wait3A_64 = tpu.memref_slice %arg7[%dma_wait3A, %dma_wait3A_63] : memref<103x128xi32, #tpu.memory_space<vmem>> -> memref<55x128xi32, #tpu.memory_space<vmem>>
        %dma_wait3A_65 = arith.constant 103 : i32
        %dma_wait3A_66 = arith.constant 0 : i32
        %dma_wait3A_67 = tpu.memref_slice %arg3[%arg1, %dma_wait3A_65, %dma_wait3A_66] : memref<16x158x128xi32, #tpu.memory_space<hbm>> -> memref<1x55x128xi32, #tpu.memory_space<hbm>>
        %dma_wait3A_68 = tpu.memref_squeeze %dma_wait3A_67 : memref<1x55x128xi32, #tpu.memory_space<hbm>> -> memref<55x128xi32, #tpu.memory_space<hbm>>
        %dma_wait3A_69 = arith.constant 0 : i32
        %dma_wait3A_70 = arith.constant 0 : i32
        %dma_wait3A_71 = tpu.memref_slice %arg7[%dma_wait3A_69, %dma_wait3A_70] : memref<103x128xi32, #tpu.memory_space<vmem>> -> memref<55x128xi32, #tpu.memory_space<vmem>>
        %dma_wait3A_72 = arith.constant 103 : i32
        %dma_wait3A_73 = arith.constant 0 : i32
        %dma_wait3A_74 = tpu.memref_slice %arg3[%arg1, %dma_wait3A_72, %dma_wait3A_73] : memref<16x158x128xi32, #tpu.memory_space<hbm>> -> memref<1x55x128xi32, #tpu.memory_space<hbm>>
        %dma_wait3A_75 = tpu.memref_squeeze %dma_wait3A_74 : memref<1x55x128xi32, #tpu.memory_space<hbm>> -> memref<55x128xi32, #tpu.memory_space<hbm>>
        tpu.wait_dma2 semaphore(%run_scoped3A : memref<!tpu.dma_semaphore, #tpu.memory_space<semaphore_mem>>) src(%dma_wait3A_75 : memref<55x128xi32, #tpu.memory_space<hbm>>) dst(%dma_wait3A_71 : memref<55x128xi32, #tpu.memory_space<vmem>>)
        tpu.yield
      }) : () -> ()
      "tpu.region"() ({
        %run_scoped3A = tpu.sem_alloc : memref<!tpu.dma_semaphore, #tpu.memory_space<semaphore_mem>>
        %dma_start3A = arith.constant 0 : i32
        %dma_start3A_50 = arith.constant 0 : i32
        %dma_start3A_51 = tpu.memref_slice %arg8[%dma_start3A, %dma_start3A_50] : memref<103x128xi32, #tpu.memory_space<vmem>> -> memref<55x128xi32, #tpu.memory_space<vmem>>
        %dma_start3A_52 = arith.constant 103 : i32
        %dma_start3A_53 = arith.constant 0 : i32
        %dma_start3A_54 = tpu.memref_slice %arg4[%arg1, %dma_start3A_52, %dma_start3A_53] : memref<16x158x128xi32, #tpu.memory_space<hbm>> -> memref<1x55x128xi32, #tpu.memory_space<hbm>>
        %dma_start3A_55 = tpu.memref_squeeze %dma_start3A_54 : memref<1x55x128xi32, #tpu.memory_space<hbm>> -> memref<55x128xi32, #tpu.memory_space<hbm>>
        %dma_start3A_56 = arith.constant 0 : i32
        %dma_start3A_57 = arith.constant 0 : i32
        %dma_start3A_58 = tpu.memref_slice %arg8[%dma_start3A_56, %dma_start3A_57] : memref<103x128xi32, #tpu.memory_space<vmem>> -> memref<55x128xi32, #tpu.memory_space<vmem>>
        %dma_start3A_59 = arith.constant 103 : i32
        %dma_start3A_60 = arith.constant 0 : i32
        %dma_start3A_61 = tpu.memref_slice %arg4[%arg1, %dma_start3A_59, %dma_start3A_60] : memref<16x158x128xi32, #tpu.memory_space<hbm>> -> memref<1x55x128xi32, #tpu.memory_space<hbm>>
        %dma_start3A_62 = tpu.memref_squeeze %dma_start3A_61 : memref<1x55x128xi32, #tpu.memory_space<hbm>> -> memref<55x128xi32, #tpu.memory_space<hbm>>
        tpu.enqueue_dma source(%dma_start3A_62 : memref<55x128xi32, #tpu.memory_space<hbm>>) target(%dma_start3A_58 : memref<55x128xi32, #tpu.memory_space<vmem>>) target_semaphore(%run_scoped3A : memref<!tpu.dma_semaphore, #tpu.memory_space<semaphore_mem>>)
        %dma_wait3A = arith.constant 0 : i32
        %dma_wait3A_63 = arith.constant 0 : i32
        %dma_wait3A_64 = tpu.memref_slice %arg8[%dma_wait3A, %dma_wait3A_63] : memref<103x128xi32, #tpu.memory_space<vmem>> -> memref<55x128xi32, #tpu.memory_space<vmem>>
        %dma_wait3A_65 = arith.constant 103 : i32
        %dma_wait3A_66 = arith.constant 0 : i32
        %dma_wait3A_67 = tpu.memref_slice %arg4[%arg1, %dma_wait3A_65, %dma_wait3A_66] : memref<16x158x128xi32, #tpu.memory_space<hbm>> -> memref<1x55x128xi32, #tpu.memory_space<hbm>>
        %dma_wait3A_68 = tpu.memref_squeeze %dma_wait3A_67 : memref<1x55x128xi32, #tpu.memory_space<hbm>> -> memref<55x128xi32, #tpu.memory_space<hbm>>
        %dma_wait3A_69 = arith.constant 0 : i32
        %dma_wait3A_70 = arith.constant 0 : i32
        %dma_wait3A_71 = tpu.memref_slice %arg8[%dma_wait3A_69, %dma_wait3A_70] : memref<103x128xi32, #tpu.memory_space<vmem>> -> memref<55x128xi32, #tpu.memory_space<vmem>>
        %dma_wait3A_72 = arith.constant 103 : i32
        %dma_wait3A_73 = arith.constant 0 : i32
        %dma_wait3A_74 = tpu.memref_slice %arg4[%arg1, %dma_wait3A_72, %dma_wait3A_73] : memref<16x158x128xi32, #tpu.memory_space<hbm>> -> memref<1x55x128xi32, #tpu.memory_space<hbm>>
        %dma_wait3A_75 = tpu.memref_squeeze %dma_wait3A_74 : memref<1x55x128xi32, #tpu.memory_space<hbm>> -> memref<55x128xi32, #tpu.memory_space<hbm>>
        tpu.wait_dma2 semaphore(%run_scoped3A : memref<!tpu.dma_semaphore, #tpu.memory_space<semaphore_mem>>) src(%dma_wait3A_75 : memref<55x128xi32, #tpu.memory_space<hbm>>) dst(%dma_wait3A_71 : memref<55x128xi32, #tpu.memory_space<vmem>>)
        tpu.yield
      }) : () -> ()
    } else {
    }
    %barrier3A = arith.constant 0 : index
    tpu.barrier barrier_id(%barrier3A)
    %eq3A_29 = arith.constant 0 : i32
    %eq3A_30 = arith.cmpi eq, %arg0, %eq3A_29 : i32
    %jit3A = arith.constant 103 : i32
    %jit3A_31 = arith.constant 55 : i32
    %select_n3A = arith.select %eq3A_30, %jit3A, %jit3A_31 : i32
    %while3A = arith.constant 0 : i32
    %while3A_32 = arith.constant 0 : i32
    %while3A_33 = arith.subi %select_n3A, %while3A_32 : i32
    %while3A_34 = arith.addi %while3A_32, %while3A_33 : i32
    %while3A_35 = arith.constant 1 : i32
    %while3A_36 = arith.divsi %while3A_33, %while3A_35 : i32
    %while3A_37 = arith.muli %while3A_36, %while3A_35 : i32
    %while3A_38 = arith.addi %while3A_32, %while3A_37 : i32
    %while3A_39 = arith.constant 1 : i32
    scf.for %while3A_50 = %while3A_32 to %while3A_38 step %while3A_39  : i32 {
      %dma_start3A = arith.constant 0 : i32
      %dma_start3A_51 = tpu.memref_slice %arg7[%while3A_50, %dma_start3A] : memref<103x128xi32, #tpu.memory_space<vmem>> -> memref<1x128xi32, #tpu.memory_space<vmem>>
      %dma_start3A_52 = tpu.memref_squeeze %dma_start3A_51 : memref<1x128xi32, #tpu.memory_space<vmem>> -> memref<128xi32, #tpu.memory_space<vmem>>
      %dma_start3A_53 = arith.constant 0 : i32
      %dma_start3A_54 = arith.constant 0 : i32
      %dma_start3A_55 = tpu.memref_slice %arg2[%dma_start3A_53, %dma_start3A_54] : memref<10240x136xf32, #tpu.memory_space<hbm>> -> memref<10240x136xf32, #tpu.memory_space<hbm>>
      tpu.enqueue_indirect_dma source(%dma_start3A_55 : memref<10240x136xf32, #tpu.memory_space<hbm>>) target(%arg9 : memref<128x136xf32, #tpu.memory_space<vmem>>) offsets(%dma_start3A_52 : memref<128xi32, #tpu.memory_space<vmem>>) semaphore(%arg11 : memref<!tpu.dma_semaphore, #tpu.memory_space<semaphore_mem>>)
      %dma_wait3A = arith.constant 0 : i32
      %dma_wait3A_56 = tpu.memref_slice %arg7[%while3A_50, %dma_wait3A] : memref<103x128xi32, #tpu.memory_space<vmem>> -> memref<1x128xi32, #tpu.memory_space<vmem>>
      %dma_wait3A_57 = tpu.memref_squeeze %dma_wait3A_56 : memref<1x128xi32, #tpu.memory_space<vmem>> -> memref<128xi32, #tpu.memory_space<vmem>>
      %dma_wait3A_58 = arith.constant 0 : i32
      %dma_wait3A_59 = arith.constant 0 : i32
      %dma_wait3A_60 = tpu.memref_slice %arg2[%dma_wait3A_58, %dma_wait3A_59] : memref<10240x136xf32, #tpu.memory_space<hbm>> -> memref<10240x136xf32, #tpu.memory_space<hbm>>
      tpu.wait_indirect_dma semaphore(%arg11 : memref<!tpu.dma_semaphore, #tpu.memory_space<semaphore_mem>>) src(%dma_wait3A_60 : memref<10240x136xf32, #tpu.memory_space<hbm>>) dst(%arg9 : memref<128x136xf32, #tpu.memory_space<vmem>>)
      "tpu.region"() ({
        %run_scoped3A = tpu.sem_alloc : memref<!tpu.dma_semaphore, #tpu.memory_space<semaphore_mem>>
        %dma_start3A_61 = arith.constant 0 : i32
        %dma_start3A_62 = tpu.memref_slice %arg8[%while3A_50, %dma_start3A_61] : memref<103x128xi32, #tpu.memory_space<vmem>> -> memref<1x128xi32, #tpu.memory_space<vmem>>
        %dma_start3A_63 = tpu.memref_squeeze %dma_start3A_62 : memref<1x128xi32, #tpu.memory_space<vmem>> -> memref<128xi32, #tpu.memory_space<vmem>>
        %dma_start3A_64 = arith.constant 0 : i32
        %dma_start3A_65 = arith.constant 0 : i32
        %dma_start3A_66 = tpu.memref_slice %arg10[%dma_start3A_64, %dma_start3A_65] : memref<10240x136xf32, #tpu.memory_space<vmem_shared>> -> memref<10240x136xf32, #tpu.memory_space<vmem_shared>>
        tpu.enqueue_indirect_dma source(%arg9 : memref<128x136xf32, #tpu.memory_space<vmem>>) target(%dma_start3A_66 : memref<10240x136xf32, #tpu.memory_space<vmem_shared>>) offsets(%dma_start3A_63 : memref<128xi32, #tpu.memory_space<vmem>>) semaphore(%run_scoped3A : memref<!tpu.dma_semaphore, #tpu.memory_space<semaphore_mem>>) {add = true}
        %dma_wait3A_67 = arith.constant 0 : i32
        %dma_wait3A_68 = tpu.memref_slice %arg8[%while3A_50, %dma_wait3A_67] : memref<103x128xi32, #tpu.memory_space<vmem>> -> memref<1x128xi32, #tpu.memory_space<vmem>>
        %dma_wait3A_69 = tpu.memref_squeeze %dma_wait3A_68 : memref<1x128xi32, #tpu.memory_space<vmem>> -> memref<128xi32, #tpu.memory_space<vmem>>
        %dma_wait3A_70 = arith.constant 0 : i32
        %dma_wait3A_71 = arith.constant 0 : i32
        %dma_wait3A_72 = tpu.memref_slice %arg10[%dma_wait3A_70, %dma_wait3A_71] : memref<10240x136xf32, #tpu.memory_space<vmem_shared>> -> memref<10240x136xf32, #tpu.memory_space<vmem_shared>>
        tpu.wait_indirect_dma semaphore(%run_scoped3A : memref<!tpu.dma_semaphore, #tpu.memory_space<semaphore_mem>>) src(%arg9 : memref<128x136xf32, #tpu.memory_space<vmem>>) dst(%dma_wait3A_72 : memref<10240x136xf32, #tpu.memory_space<vmem_shared>>)
        tpu.yield
      }) : () -> ()
    }
    %while3A_40 = arith.constant 1 : i32
    scf.for %while3A_50 = %while3A_38 to %while3A_34 step %while3A_40  : i32 {
      %dma_start3A = arith.constant 0 : i32
      %dma_start3A_51 = tpu.memref_slice %arg7[%while3A_50, %dma_start3A] : memref<103x128xi32, #tpu.memory_space<vmem>> -> memref<1x128xi32, #tpu.memory_space<vmem>>
      %dma_start3A_52 = tpu.memref_squeeze %dma_start3A_51 : memref<1x128xi32, #tpu.memory_space<vmem>> -> memref<128xi32, #tpu.memory_space<vmem>>
      %dma_start3A_53 = arith.constant 0 : i32
      %dma_start3A_54 = arith.constant 0 : i32
      %dma_start3A_55 = tpu.memref_slice %arg2[%dma_start3A_53, %dma_start3A_54] : memref<10240x136xf32, #tpu.memory_space<hbm>> -> memref<10240x136xf32, #tpu.memory_space<hbm>>
      tpu.enqueue_indirect_dma source(%dma_start3A_55 : memref<10240x136xf32, #tpu.memory_space<hbm>>) target(%arg9 : memref<128x136xf32, #tpu.memory_space<vmem>>) offsets(%dma_start3A_52 : memref<128xi32, #tpu.memory_space<vmem>>) semaphore(%arg11 : memref<!tpu.dma_semaphore, #tpu.memory_space<semaphore_mem>>)
      %dma_wait3A = arith.constant 0 : i32
      %dma_wait3A_56 = tpu.memref_slice %arg7[%while3A_50, %dma_wait3A] : memref<103x128xi32, #tpu.memory_space<vmem>> -> memref<1x128xi32, #tpu.memory_space<vmem>>
      %dma_wait3A_57 = tpu.memref_squeeze %dma_wait3A_56 : memref<1x128xi32, #tpu.memory_space<vmem>> -> memref<128xi32, #tpu.memory_space<vmem>>
      %dma_wait3A_58 = arith.constant 0 : i32
      %dma_wait3A_59 = arith.constant 0 : i32
      %dma_wait3A_60 = tpu.memref_slice %arg2[%dma_wait3A_58, %dma_wait3A_59] : memref<10240x136xf32, #tpu.memory_space<hbm>> -> memref<10240x136xf32, #tpu.memory_space<hbm>>
      tpu.wait_indirect_dma semaphore(%arg11 : memref<!tpu.dma_semaphore, #tpu.memory_space<semaphore_mem>>) src(%dma_wait3A_60 : memref<10240x136xf32, #tpu.memory_space<hbm>>) dst(%arg9 : memref<128x136xf32, #tpu.memory_space<vmem>>)
      "tpu.region"() ({
        %run_scoped3A = tpu.sem_alloc : memref<!tpu.dma_semaphore, #tpu.memory_space<semaphore_mem>>
        %dma_start3A_61 = arith.constant 0 : i32
        %dma_start3A_62 = tpu.memref_slice %arg8[%while3A_50, %dma_start3A_61] : memref<103x128xi32, #tpu.memory_space<vmem>> -> memref<1x128xi32, #tpu.memory_space<vmem>>
        %dma_start3A_63 = tpu.memref_squeeze %dma_start3A_62 : memref<1x128xi32, #tpu.memory_space<vmem>> -> memref<128xi32, #tpu.memory_space<vmem>>
        %dma_start3A_64 = arith.constant 0 : i32
        %dma_start3A_65 = arith.constant 0 : i32
        %dma_start3A_66 = tpu.memref_slice %arg10[%dma_start3A_64, %dma_start3A_65] : memref<10240x136xf32, #tpu.memory_space<vmem_shared>> -> memref<10240x136xf32, #tpu.memory_space<vmem_shared>>
        tpu.enqueue_indirect_dma source(%arg9 : memref<128x136xf32, #tpu.memory_space<vmem>>) target(%dma_start3A_66 : memref<10240x136xf32, #tpu.memory_space<vmem_shared>>) offsets(%dma_start3A_63 : memref<128xi32, #tpu.memory_space<vmem>>) semaphore(%run_scoped3A : memref<!tpu.dma_semaphore, #tpu.memory_space<semaphore_mem>>) {add = true}
        %dma_wait3A_67 = arith.constant 0 : i32
        %dma_wait3A_68 = tpu.memref_slice %arg8[%while3A_50, %dma_wait3A_67] : memref<103x128xi32, #tpu.memory_space<vmem>> -> memref<1x128xi32, #tpu.memory_space<vmem>>
        %dma_wait3A_69 = tpu.memref_squeeze %dma_wait3A_68 : memref<1x128xi32, #tpu.memory_space<vmem>> -> memref<128xi32, #tpu.memory_space<vmem>>
        %dma_wait3A_70 = arith.constant 0 : i32
        %dma_wait3A_71 = arith.constant 0 : i32
        %dma_wait3A_72 = tpu.memref_slice %arg10[%dma_wait3A_70, %dma_wait3A_71] : memref<10240x136xf32, #tpu.memory_space<vmem_shared>> -> memref<10240x136xf32, #tpu.memory_space<vmem_shared>>
        tpu.wait_indirect_dma semaphore(%run_scoped3A : memref<!tpu.dma_semaphore, #tpu.memory_space<semaphore_mem>>) src(%arg9 : memref<128x136xf32, #tpu.memory_space<vmem>>) dst(%dma_wait3A_72 : memref<10240x136xf32, #tpu.memory_space<vmem_shared>>)
        tpu.yield
      }) : () -> ()
    }
    %barrier3A_41 = arith.constant 0 : index
    tpu.barrier barrier_id(%barrier3A_41)
    %mul3A_42 = arith.constant 640 : i32
    %mul3A_43 = arith.muli %arg1, %mul3A_42 : i32
    %mul3A_44 = arith.constant 640 : i32
    %mul3A_45 = arith.muli %arg1, %mul3A_44 : i32
    "tpu.region"() ({
      %run_scoped3A = tpu.sem_alloc : memref<!tpu.dma_semaphore, #tpu.memory_space<semaphore_mem>>
      %dma_start3A = arith.constant 0 : i32
      %dma_start3A_50 = tpu.memref_slice %arg5[%arg0, %mul3A_45, %dma_start3A] : memref<2x10240x128xf32, #tpu.memory_space<hbm>> -> memref<1x640x128xf32, #tpu.memory_space<hbm>>
      %dma_start3A_51 = tpu.memref_squeeze %dma_start3A_50 : memref<1x640x128xf32, #tpu.memory_space<hbm>> -> memref<640x128xf32, #tpu.memory_space<hbm>>
      %dma_start3A_52 = arith.constant 0 : i32
      %dma_start3A_53 = tpu.memref_slice %arg10[%mul3A_43, %dma_start3A_52] : memref<10240x136xf32, #tpu.memory_space<vmem_shared>> -> memref<640x128xf32, #tpu.memory_space<vmem_shared>>
      tpu.enqueue_dma source(%dma_start3A_53 : memref<640x128xf32, #tpu.memory_space<vmem_shared>>) target(%dma_start3A_51 : memref<640x128xf32, #tpu.memory_space<hbm>>) target_semaphore(%run_scoped3A : memref<!tpu.dma_semaphore, #tpu.memory_space<semaphore_mem>>)
      %dma_wait3A = arith.constant 0 : i32
      %dma_wait3A_54 = tpu.memref_slice %arg5[%arg0, %mul3A_45, %dma_wait3A] : memref<2x10240x128xf32, #tpu.memory_space<hbm>> -> memref<1x640x128xf32, #tpu.memory_space<hbm>>
      %dma_wait3A_55 = tpu.memref_squeeze %dma_wait3A_54 : memref<1x640x128xf32, #tpu.memory_space<hbm>> -> memref<640x128xf32, #tpu.memory_space<hbm>>
      %dma_wait3A_56 = arith.constant 0 : i32
      %dma_wait3A_57 = tpu.memref_slice %arg10[%mul3A_43, %dma_wait3A_56] : memref<10240x136xf32, #tpu.memory_space<vmem_shared>> -> memref<640x128xf32, #tpu.memory_space<vmem_shared>>
      tpu.wait_dma2 semaphore(%run_scoped3A : memref<!tpu.dma_semaphore, #tpu.memory_space<semaphore_mem>>) src(%dma_wait3A_57 : memref<640x128xf32, #tpu.memory_space<vmem_shared>>) dst(%dma_wait3A_55 : memref<640x128xf32, #tpu.memory_space<hbm>>)
      tpu.yield
    }) : () -> ()
    %mul3A_46 = arith.constant 640 : i32
    %mul3A_47 = arith.muli %arg1, %mul3A_46 : i32
    %mul3A_48 = arith.constant 640 : i32
    %mul3A_49 = arith.muli %arg1, %mul3A_48 : i32
    "tpu.region"() ({
      %run_scoped3A = tpu.sem_alloc : memref<!tpu.dma_semaphore, #tpu.memory_space<semaphore_mem>>
      %dma_start3A = arith.constant 0 : i32
      %dma_start3A_50 = tpu.memref_slice %arg6[%arg0, %mul3A_49, %dma_start3A] : memref<2x10240x8xf32, #tpu.memory_space<hbm>> -> memref<1x640x8xf32, #tpu.memory_space<hbm>>
      %dma_start3A_51 = tpu.memref_squeeze %dma_start3A_50 : memref<1x640x8xf32, #tpu.memory_space<hbm>> -> memref<640x8xf32, #tpu.memory_space<hbm>>
      %dma_start3A_52 = arith.constant 128 : i32
      %dma_start3A_53 = tpu.memref_slice %arg10[%mul3A_47, %dma_start3A_52] : memref<10240x136xf32, #tpu.memory_space<vmem_shared>> -> memref<640x8xf32, #tpu.memory_space<vmem_shared>>
      tpu.enqueue_dma source(%dma_start3A_53 : memref<640x8xf32, #tpu.memory_space<vmem_shared>>) target(%dma_start3A_51 : memref<640x8xf32, #tpu.memory_space<hbm>>) target_semaphore(%run_scoped3A : memref<!tpu.dma_semaphore, #tpu.memory_space<semaphore_mem>>)
      %dma_wait3A = arith.constant 0 : i32
      %dma_wait3A_54 = tpu.memref_slice %arg6[%arg0, %mul3A_49, %dma_wait3A] : memref<2x10240x8xf32, #tpu.memory_space<hbm>> -> memref<1x640x8xf32, #tpu.memory_space<hbm>>
      %dma_wait3A_55 = tpu.memref_squeeze %dma_wait3A_54 : memref<1x640x8xf32, #tpu.memory_space<hbm>> -> memref<640x8xf32, #tpu.memory_space<hbm>>
      %dma_wait3A_56 = arith.constant 128 : i32
      %dma_wait3A_57 = tpu.memref_slice %arg10[%mul3A_47, %dma_wait3A_56] : memref<10240x136xf32, #tpu.memory_space<vmem_shared>> -> memref<640x8xf32, #tpu.memory_space<vmem_shared>>
      tpu.wait_dma2 semaphore(%run_scoped3A : memref<!tpu.dma_semaphore, #tpu.memory_space<semaphore_mem>>) src(%dma_wait3A_57 : memref<640x8xf32, #tpu.memory_space<vmem_shared>>) dst(%dma_wait3A_55 : memref<640x8xf32, #tpu.memory_space<hbm>>)
      tpu.yield
    }) : () -> ()
    return
  }
}

#map = affine_map<(d0, d1) -> (0, 0)>
#map1 = affine_map<(d0, d1) -> (0, 0, 0)>
module attributes {stable_mosaic.version = 14 : i64} {
  func.func @edge_scatter(%arg0: i32, %arg1: i32, %arg2: memref<10240x40xf32, #tpu.memory_space<hbm>>, %arg3: memref<16x79x256xi32, #tpu.memory_space<hbm>>, %arg4: memref<16x79x256xi32, #tpu.memory_space<hbm>>, %arg5: memref<2x10240x40xf32, #tpu.memory_space<hbm>>, %arg6: memref<51x256xi32, #tpu.memory_space<vmem>>, %arg7: memref<51x256xi32, #tpu.memory_space<vmem>>, %arg8: memref<256x40xf32, #tpu.memory_space<vmem>>, %arg9: memref<10240x40xf32, #tpu.memory_space<vmem_shared>>, %arg10: memref<!tpu.dma_semaphore, #tpu.memory_space<semaphore_mem>>) attributes {dimension_semantics = [#tpu.dimension_semantics<core_parallel>, #tpu.dimension_semantics<subcore_parallel>], iteration_bounds = array<i64: 2, 16>, scalar_prefetch = 0 : i64, scratch_operands = 5 : i64, tpu.core_type = #tpu.core_type<sc_vector_subcore>, window_params = [{transform_indices = #map}, {transform_indices = #map1}, {transform_indices = #map1}, {transform_indices = #map1}]} {
    %scan3A = arith.constant 0 : i32
    %scan3A_0 = arith.constant 0 : i32
    %scan3A_1 = arith.constant 128 : i32
    %scan3A_2 = arith.addi %scan3A_0, %scan3A_1 : i32
    %scan3A_3 = arith.constant 1 : i32
    scf.for %scan3A_46 = %scan3A_0 to %scan3A_2 step %scan3A_3  : i32 {
      %broadcast_in_dim3A = arith.constant 0.000000e+00 : f32
      %broadcast_in_dim3A_47 = vector.broadcast %broadcast_in_dim3A : f32 to vector<16xf32>
      %swap3A = arith.index_cast %scan3A_46 : i32 to index
      %swap3A_48 = arith.constant 0 : index
      %swap3A_49 = tpu.vector_load %arg8[%swap3A, %swap3A_48] {strides = array<i32>} : memref<256x40xf32, #tpu.memory_space<vmem>>, vector<1x16xf32>,
      %swap3A_50 = vector.shape_cast %swap3A_49 : vector<1x16xf32> to vector<16xf32>
      %swap3A_51 = vector.shape_cast %broadcast_in_dim3A_47 : vector<16xf32> to vector<1x16xf32>
      tpu.vector_store %arg8[%swap3A, %swap3A_48], %swap3A_51 {strides = array<i32>} : memref<256x40xf32, #tpu.memory_space<vmem>>, vector<1x16xf32>,
      %broadcast_in_dim3A_52 = arith.constant 0.000000e+00 : f32
      %broadcast_in_dim3A_53 = vector.broadcast %broadcast_in_dim3A_52 : f32 to vector<16xf32>
      %swap3A_54 = arith.index_cast %scan3A_46 : i32 to index
      %swap3A_55 = arith.constant 16 : index
      %swap3A_56 = tpu.vector_load %arg8[%swap3A_54, %swap3A_55] {strides = array<i32>} : memref<256x40xf32, #tpu.memory_space<vmem>>, vector<1x16xf32>,
      %swap3A_57 = vector.shape_cast %swap3A_56 : vector<1x16xf32> to vector<16xf32>
      %swap3A_58 = vector.shape_cast %broadcast_in_dim3A_53 : vector<16xf32> to vector<1x16xf32>
      tpu.vector_store %arg8[%swap3A_54, %swap3A_55], %swap3A_58 {strides = array<i32>} : memref<256x40xf32, #tpu.memory_space<vmem>>, vector<1x16xf32>,
      %broadcast_in_dim3A_59 = arith.constant 0.000000e+00 : f32
      %broadcast_in_dim3A_60 = vector.broadcast %broadcast_in_dim3A_59 : f32 to vector<16xf32>
      %swap3A_61 = arith.index_cast %scan3A_46 : i32 to index
      %swap3A_62 = arith.constant 24 : index
      %swap3A_63 = tpu.vector_load %arg8[%swap3A_61, %swap3A_62] {strides = array<i32>} : memref<256x40xf32, #tpu.memory_space<vmem>>, vector<1x16xf32>,
      %swap3A_64 = vector.shape_cast %swap3A_63 : vector<1x16xf32> to vector<16xf32>
      %swap3A_65 = vector.shape_cast %broadcast_in_dim3A_60 : vector<16xf32> to vector<1x16xf32>
      tpu.vector_store %arg8[%swap3A_61, %swap3A_62], %swap3A_65 {strides = array<i32>} : memref<256x40xf32, #tpu.memory_space<vmem>>, vector<1x16xf32>,
    }
    %scan3A_4 = arith.constant 128 : i32
    %mul3A = arith.constant 640 : i32
    %mul3A_5 = arith.muli %arg1, %mul3A : i32
    %add3A = arith.constant 0 : i32
    %add3A_6 = arith.addi %mul3A_5, %add3A : i32
    "tpu.region"() ({
      %run_scoped3A = tpu.sem_alloc : memref<!tpu.dma_semaphore, #tpu.memory_space<semaphore_mem>>
      %dma_start3A = arith.constant 0 : i32
      %dma_start3A_46 = arith.constant 0 : i32
      %dma_start3A_47 = tpu.memref_slice %arg8[%dma_start3A, %dma_start3A_46] : memref<256x40xf32, #tpu.memory_space<vmem>> -> memref<128x40xf32, #tpu.memory_space<vmem>>
      %dma_start3A_48 = arith.constant 0 : i32
      %dma_start3A_49 = tpu.memref_slice %arg9[%add3A_6, %dma_start3A_48] : memref<10240x40xf32, #tpu.memory_space<vmem_shared>> -> memref<128x40xf32, #tpu.memory_space<vmem_shared>>
      %dma_start3A_50 = arith.constant 0 : i32
      %dma_start3A_51 = tpu.memref_slice %arg9[%add3A_6, %dma_start3A_50] : memref<10240x40xf32, #tpu.memory_space<vmem_shared>> -> memref<128x40xf32, #tpu.memory_space<vmem_shared>>
      %dma_start3A_52 = arith.constant 0 : i32
      %dma_start3A_53 = arith.constant 0 : i32
      %dma_start3A_54 = tpu.memref_slice %arg8[%dma_start3A_52, %dma_start3A_53] : memref<256x40xf32, #tpu.memory_space<vmem>> -> memref<128x40xf32, #tpu.memory_space<vmem>>
      tpu.enqueue_dma source(%dma_start3A_54 : memref<128x40xf32, #tpu.memory_space<vmem>>) target(%dma_start3A_51 : memref<128x40xf32, #tpu.memory_space<vmem_shared>>) target_semaphore(%run_scoped3A : memref<!tpu.dma_semaphore, #tpu.memory_space<semaphore_mem>>)
      %dma_wait3A = arith.constant 0 : i32
      %dma_wait3A_55 = arith.constant 0 : i32
      %dma_wait3A_56 = tpu.memref_slice %arg8[%dma_wait3A, %dma_wait3A_55] : memref<256x40xf32, #tpu.memory_space<vmem>> -> memref<128x40xf32, #tpu.memory_space<vmem>>
      %dma_wait3A_57 = arith.constant 0 : i32
      %dma_wait3A_58 = tpu.memref_slice %arg9[%add3A_6, %dma_wait3A_57] : memref<10240x40xf32, #tpu.memory_space<vmem_shared>> -> memref<128x40xf32, #tpu.memory_space<vmem_shared>>
      %dma_wait3A_59 = arith.constant 0 : i32
      %dma_wait3A_60 = tpu.memref_slice %arg9[%add3A_6, %dma_wait3A_59] : memref<10240x40xf32, #tpu.memory_space<vmem_shared>> -> memref<128x40xf32, #tpu.memory_space<vmem_shared>>
      %dma_wait3A_61 = arith.constant 0 : i32
      %dma_wait3A_62 = arith.constant 0 : i32
      %dma_wait3A_63 = tpu.memref_slice %arg8[%dma_wait3A_61, %dma_wait3A_62] : memref<256x40xf32, #tpu.memory_space<vmem>> -> memref<128x40xf32, #tpu.memory_space<vmem>>
      tpu.wait_dma2 semaphore(%run_scoped3A : memref<!tpu.dma_semaphore, #tpu.memory_space<semaphore_mem>>) src(%dma_wait3A_63 : memref<128x40xf32, #tpu.memory_space<vmem>>) dst(%dma_wait3A_60 : memref<128x40xf32, #tpu.memory_space<vmem_shared>>)
      tpu.yield
    }) : () -> ()
    %mul3A_7 = arith.constant 640 : i32
    %mul3A_8 = arith.muli %arg1, %mul3A_7 : i32
    %add3A_9 = arith.constant 128 : i32
    %add3A_10 = arith.addi %mul3A_8, %add3A_9 : i32
    "tpu.region"() ({
      %run_scoped3A = tpu.sem_alloc : memref<!tpu.dma_semaphore, #tpu.memory_space<semaphore_mem>>
      %dma_start3A = arith.constant 0 : i32
      %dma_start3A_46 = arith.constant 0 : i32
      %dma_start3A_47 = tpu.memref_slice %arg8[%dma_start3A, %dma_start3A_46] : memref<256x40xf32, #tpu.memory_space<vmem>> -> memref<128x40xf32, #tpu.memory_space<vmem>>
      %dma_start3A_48 = arith.constant 0 : i32
      %dma_start3A_49 = tpu.memref_slice %arg9[%add3A_10, %dma_start3A_48] : memref<10240x40xf32, #tpu.memory_space<vmem_shared>> -> memref<128x40xf32, #tpu.memory_space<vmem_shared>>
      %dma_start3A_50 = arith.constant 0 : i32
      %dma_start3A_51 = tpu.memref_slice %arg9[%add3A_10, %dma_start3A_50] : memref<10240x40xf32, #tpu.memory_space<vmem_shared>> -> memref<128x40xf32, #tpu.memory_space<vmem_shared>>
      %dma_start3A_52 = arith.constant 0 : i32
      %dma_start3A_53 = arith.constant 0 : i32
      %dma_start3A_54 = tpu.memref_slice %arg8[%dma_start3A_52, %dma_start3A_53] : memref<256x40xf32, #tpu.memory_space<vmem>> -> memref<128x40xf32, #tpu.memory_space<vmem>>
      tpu.enqueue_dma source(%dma_start3A_54 : memref<128x40xf32, #tpu.memory_space<vmem>>) target(%dma_start3A_51 : memref<128x40xf32, #tpu.memory_space<vmem_shared>>) target_semaphore(%run_scoped3A : memref<!tpu.dma_semaphore, #tpu.memory_space<semaphore_mem>>)
      %dma_wait3A = arith.constant 0 : i32
      %dma_wait3A_55 = arith.constant 0 : i32
      %dma_wait3A_56 = tpu.memref_slice %arg8[%dma_wait3A, %dma_wait3A_55] : memref<256x40xf32, #tpu.memory_space<vmem>> -> memref<128x40xf32, #tpu.memory_space<vmem>>
      %dma_wait3A_57 = arith.constant 0 : i32
      %dma_wait3A_58 = tpu.memref_slice %arg9[%add3A_10, %dma_wait3A_57] : memref<10240x40xf32, #tpu.memory_space<vmem_shared>> -> memref<128x40xf32, #tpu.memory_space<vmem_shared>>
      %dma_wait3A_59 = arith.constant 0 : i32
      %dma_wait3A_60 = tpu.memref_slice %arg9[%add3A_10, %dma_wait3A_59] : memref<10240x40xf32, #tpu.memory_space<vmem_shared>> -> memref<128x40xf32, #tpu.memory_space<vmem_shared>>
      %dma_wait3A_61 = arith.constant 0 : i32
      %dma_wait3A_62 = arith.constant 0 : i32
      %dma_wait3A_63 = tpu.memref_slice %arg8[%dma_wait3A_61, %dma_wait3A_62] : memref<256x40xf32, #tpu.memory_space<vmem>> -> memref<128x40xf32, #tpu.memory_space<vmem>>
      tpu.wait_dma2 semaphore(%run_scoped3A : memref<!tpu.dma_semaphore, #tpu.memory_space<semaphore_mem>>) src(%dma_wait3A_63 : memref<128x40xf32, #tpu.memory_space<vmem>>) dst(%dma_wait3A_60 : memref<128x40xf32, #tpu.memory_space<vmem_shared>>)
      tpu.yield
    }) : () -> ()
    %mul3A_11 = arith.constant 640 : i32
    %mul3A_12 = arith.muli %arg1, %mul3A_11 : i32
    %add3A_13 = arith.constant 256 : i32
    %add3A_14 = arith.addi %mul3A_12, %add3A_13 : i32
    "tpu.region"() ({
      %run_scoped3A = tpu.sem_alloc : memref<!tpu.dma_semaphore, #tpu.memory_space<semaphore_mem>>
      %dma_start3A = arith.constant 0 : i32
      %dma_start3A_46 = arith.constant 0 : i32
      %dma_start3A_47 = tpu.memref_slice %arg8[%dma_start3A, %dma_start3A_46] : memref<256x40xf32, #tpu.memory_space<vmem>> -> memref<128x40xf32, #tpu.memory_space<vmem>>
      %dma_start3A_48 = arith.constant 0 : i32
      %dma_start3A_49 = tpu.memref_slice %arg9[%add3A_14, %dma_start3A_48] : memref<10240x40xf32, #tpu.memory_space<vmem_shared>> -> memref<128x40xf32, #tpu.memory_space<vmem_shared>>
      %dma_start3A_50 = arith.constant 0 : i32
      %dma_start3A_51 = tpu.memref_slice %arg9[%add3A_14, %dma_start3A_50] : memref<10240x40xf32, #tpu.memory_space<vmem_shared>> -> memref<128x40xf32, #tpu.memory_space<vmem_shared>>
      %dma_start3A_52 = arith.constant 0 : i32
      %dma_start3A_53 = arith.constant 0 : i32
      %dma_start3A_54 = tpu.memref_slice %arg8[%dma_start3A_52, %dma_start3A_53] : memref<256x40xf32, #tpu.memory_space<vmem>> -> memref<128x40xf32, #tpu.memory_space<vmem>>
      tpu.enqueue_dma source(%dma_start3A_54 : memref<128x40xf32, #tpu.memory_space<vmem>>) target(%dma_start3A_51 : memref<128x40xf32, #tpu.memory_space<vmem_shared>>) target_semaphore(%run_scoped3A : memref<!tpu.dma_semaphore, #tpu.memory_space<semaphore_mem>>)
      %dma_wait3A = arith.constant 0 : i32
      %dma_wait3A_55 = arith.constant 0 : i32
      %dma_wait3A_56 = tpu.memref_slice %arg8[%dma_wait3A, %dma_wait3A_55] : memref<256x40xf32, #tpu.memory_space<vmem>> -> memref<128x40xf32, #tpu.memory_space<vmem>>
      %dma_wait3A_57 = arith.constant 0 : i32
      %dma_wait3A_58 = tpu.memref_slice %arg9[%add3A_14, %dma_wait3A_57] : memref<10240x40xf32, #tpu.memory_space<vmem_shared>> -> memref<128x40xf32, #tpu.memory_space<vmem_shared>>
      %dma_wait3A_59 = arith.constant 0 : i32
      %dma_wait3A_60 = tpu.memref_slice %arg9[%add3A_14, %dma_wait3A_59] : memref<10240x40xf32, #tpu.memory_space<vmem_shared>> -> memref<128x40xf32, #tpu.memory_space<vmem_shared>>
      %dma_wait3A_61 = arith.constant 0 : i32
      %dma_wait3A_62 = arith.constant 0 : i32
      %dma_wait3A_63 = tpu.memref_slice %arg8[%dma_wait3A_61, %dma_wait3A_62] : memref<256x40xf32, #tpu.memory_space<vmem>> -> memref<128x40xf32, #tpu.memory_space<vmem>>
      tpu.wait_dma2 semaphore(%run_scoped3A : memref<!tpu.dma_semaphore, #tpu.memory_space<semaphore_mem>>) src(%dma_wait3A_63 : memref<128x40xf32, #tpu.memory_space<vmem>>) dst(%dma_wait3A_60 : memref<128x40xf32, #tpu.memory_space<vmem_shared>>)
      tpu.yield
    }) : () -> ()
    %mul3A_15 = arith.constant 640 : i32
    %mul3A_16 = arith.muli %arg1, %mul3A_15 : i32
    %add3A_17 = arith.constant 384 : i32
    %add3A_18 = arith.addi %mul3A_16, %add3A_17 : i32
    "tpu.region"() ({
      %run_scoped3A = tpu.sem_alloc : memref<!tpu.dma_semaphore, #tpu.memory_space<semaphore_mem>>
      %dma_start3A = arith.constant 0 : i32
      %dma_start3A_46 = arith.constant 0 : i32
      %dma_start3A_47 = tpu.memref_slice %arg8[%dma_start3A, %dma_start3A_46] : memref<256x40xf32, #tpu.memory_space<vmem>> -> memref<128x40xf32, #tpu.memory_space<vmem>>
      %dma_start3A_48 = arith.constant 0 : i32
      %dma_start3A_49 = tpu.memref_slice %arg9[%add3A_18, %dma_start3A_48] : memref<10240x40xf32, #tpu.memory_space<vmem_shared>> -> memref<128x40xf32, #tpu.memory_space<vmem_shared>>
      %dma_start3A_50 = arith.constant 0 : i32
      %dma_start3A_51 = tpu.memref_slice %arg9[%add3A_18, %dma_start3A_50] : memref<10240x40xf32, #tpu.memory_space<vmem_shared>> -> memref<128x40xf32, #tpu.memory_space<vmem_shared>>
      %dma_start3A_52 = arith.constant 0 : i32
      %dma_start3A_53 = arith.constant 0 : i32
      %dma_start3A_54 = tpu.memref_slice %arg8[%dma_start3A_52, %dma_start3A_53] : memref<256x40xf32, #tpu.memory_space<vmem>> -> memref<128x40xf32, #tpu.memory_space<vmem>>
      tpu.enqueue_dma source(%dma_start3A_54 : memref<128x40xf32, #tpu.memory_space<vmem>>) target(%dma_start3A_51 : memref<128x40xf32, #tpu.memory_space<vmem_shared>>) target_semaphore(%run_scoped3A : memref<!tpu.dma_semaphore, #tpu.memory_space<semaphore_mem>>)
      %dma_wait3A = arith.constant 0 : i32
      %dma_wait3A_55 = arith.constant 0 : i32
      %dma_wait3A_56 = tpu.memref_slice %arg8[%dma_wait3A, %dma_wait3A_55] : memref<256x40xf32, #tpu.memory_space<vmem>> -> memref<128x40xf32, #tpu.memory_space<vmem>>
      %dma_wait3A_57 = arith.constant 0 : i32
      %dma_wait3A_58 = tpu.memref_slice %arg9[%add3A_18, %dma_wait3A_57] : memref<10240x40xf32, #tpu.memory_space<vmem_shared>> -> memref<128x40xf32, #tpu.memory_space<vmem_shared>>
      %dma_wait3A_59 = arith.constant 0 : i32
      %dma_wait3A_60 = tpu.memref_slice %arg9[%add3A_18, %dma_wait3A_59] : memref<10240x40xf32, #tpu.memory_space<vmem_shared>> -> memref<128x40xf32, #tpu.memory_space<vmem_shared>>
      %dma_wait3A_61 = arith.constant 0 : i32
      %dma_wait3A_62 = arith.constant 0 : i32
      %dma_wait3A_63 = tpu.memref_slice %arg8[%dma_wait3A_61, %dma_wait3A_62] : memref<256x40xf32, #tpu.memory_space<vmem>> -> memref<128x40xf32, #tpu.memory_space<vmem>>
      tpu.wait_dma2 semaphore(%run_scoped3A : memref<!tpu.dma_semaphore, #tpu.memory_space<semaphore_mem>>) src(%dma_wait3A_63 : memref<128x40xf32, #tpu.memory_space<vmem>>) dst(%dma_wait3A_60 : memref<128x40xf32, #tpu.memory_space<vmem_shared>>)
      tpu.yield
    }) : () -> ()
    %mul3A_19 = arith.constant 640 : i32
    %mul3A_20 = arith.muli %arg1, %mul3A_19 : i32
    %add3A_21 = arith.constant 512 : i32
    %add3A_22 = arith.addi %mul3A_20, %add3A_21 : i32
    "tpu.region"() ({
      %run_scoped3A = tpu.sem_alloc : memref<!tpu.dma_semaphore, #tpu.memory_space<semaphore_mem>>
      %dma_start3A = arith.constant 0 : i32
      %dma_start3A_46 = arith.constant 0 : i32
      %dma_start3A_47 = tpu.memref_slice %arg8[%dma_start3A, %dma_start3A_46] : memref<256x40xf32, #tpu.memory_space<vmem>> -> memref<128x40xf32, #tpu.memory_space<vmem>>
      %dma_start3A_48 = arith.constant 0 : i32
      %dma_start3A_49 = tpu.memref_slice %arg9[%add3A_22, %dma_start3A_48] : memref<10240x40xf32, #tpu.memory_space<vmem_shared>> -> memref<128x40xf32, #tpu.memory_space<vmem_shared>>
      %dma_start3A_50 = arith.constant 0 : i32
      %dma_start3A_51 = tpu.memref_slice %arg9[%add3A_22, %dma_start3A_50] : memref<10240x40xf32, #tpu.memory_space<vmem_shared>> -> memref<128x40xf32, #tpu.memory_space<vmem_shared>>
      %dma_start3A_52 = arith.constant 0 : i32
      %dma_start3A_53 = arith.constant 0 : i32
      %dma_start3A_54 = tpu.memref_slice %arg8[%dma_start3A_52, %dma_start3A_53] : memref<256x40xf32, #tpu.memory_space<vmem>> -> memref<128x40xf32, #tpu.memory_space<vmem>>
      tpu.enqueue_dma source(%dma_start3A_54 : memref<128x40xf32, #tpu.memory_space<vmem>>) target(%dma_start3A_51 : memref<128x40xf32, #tpu.memory_space<vmem_shared>>) target_semaphore(%run_scoped3A : memref<!tpu.dma_semaphore, #tpu.memory_space<semaphore_mem>>)
      %dma_wait3A = arith.constant 0 : i32
      %dma_wait3A_55 = arith.constant 0 : i32
      %dma_wait3A_56 = tpu.memref_slice %arg8[%dma_wait3A, %dma_wait3A_55] : memref<256x40xf32, #tpu.memory_space<vmem>> -> memref<128x40xf32, #tpu.memory_space<vmem>>
      %dma_wait3A_57 = arith.constant 0 : i32
      %dma_wait3A_58 = tpu.memref_slice %arg9[%add3A_22, %dma_wait3A_57] : memref<10240x40xf32, #tpu.memory_space<vmem_shared>> -> memref<128x40xf32, #tpu.memory_space<vmem_shared>>
      %dma_wait3A_59 = arith.constant 0 : i32
      %dma_wait3A_60 = tpu.memref_slice %arg9[%add3A_22, %dma_wait3A_59] : memref<10240x40xf32, #tpu.memory_space<vmem_shared>> -> memref<128x40xf32, #tpu.memory_space<vmem_shared>>
      %dma_wait3A_61 = arith.constant 0 : i32
      %dma_wait3A_62 = arith.constant 0 : i32
      %dma_wait3A_63 = tpu.memref_slice %arg8[%dma_wait3A_61, %dma_wait3A_62] : memref<256x40xf32, #tpu.memory_space<vmem>> -> memref<128x40xf32, #tpu.memory_space<vmem>>
      tpu.wait_dma2 semaphore(%run_scoped3A : memref<!tpu.dma_semaphore, #tpu.memory_space<semaphore_mem>>) src(%dma_wait3A_63 : memref<128x40xf32, #tpu.memory_space<vmem>>) dst(%dma_wait3A_60 : memref<128x40xf32, #tpu.memory_space<vmem_shared>>)
      tpu.yield
    }) : () -> ()
    %eq3A = arith.constant 0 : i32
    %eq3A_23 = arith.cmpi eq, %arg0, %eq3A : i32
    %convert_element_type3A = arith.extui %eq3A_23 : i1 to i32
    %cond3A = arith.constant 0 : i32
    %cond3A_24 = arith.cmpi ne, %convert_element_type3A, %cond3A : i32
    scf.if %cond3A_24 {
      "tpu.region"() ({
        %run_scoped3A = tpu.sem_alloc : memref<!tpu.dma_semaphore, #tpu.memory_space<semaphore_mem>>
        %dma_start3A = arith.constant 0 : i32
        %dma_start3A_46 = arith.constant 0 : i32
        %dma_start3A_47 = tpu.memref_slice %arg3[%arg1, %dma_start3A, %dma_start3A_46] : memref<16x79x256xi32, #tpu.memory_space<hbm>> -> memref<1x51x256xi32, #tpu.memory_space<hbm>>
        %dma_start3A_48 = tpu.memref_squeeze %dma_start3A_47 : memref<1x51x256xi32, #tpu.memory_space<hbm>> -> memref<51x256xi32, #tpu.memory_space<hbm>>
        %dma_start3A_49 = arith.constant 0 : i32
        %dma_start3A_50 = arith.constant 0 : i32
        %dma_start3A_51 = tpu.memref_slice %arg3[%arg1, %dma_start3A_49, %dma_start3A_50] : memref<16x79x256xi32, #tpu.memory_space<hbm>> -> memref<1x51x256xi32, #tpu.memory_space<hbm>>
        %dma_start3A_52 = tpu.memref_squeeze %dma_start3A_51 : memref<1x51x256xi32, #tpu.memory_space<hbm>> -> memref<51x256xi32, #tpu.memory_space<hbm>>
        tpu.enqueue_dma source(%dma_start3A_52 : memref<51x256xi32, #tpu.memory_space<hbm>>) target(%arg6 : memref<51x256xi32, #tpu.memory_space<vmem>>) target_semaphore(%run_scoped3A : memref<!tpu.dma_semaphore, #tpu.memory_space<semaphore_mem>>)
        %dma_wait3A = arith.constant 0 : i32
        %dma_wait3A_53 = arith.constant 0 : i32
        %dma_wait3A_54 = tpu.memref_slice %arg3[%arg1, %dma_wait3A, %dma_wait3A_53] : memref<16x79x256xi32, #tpu.memory_space<hbm>> -> memref<1x51x256xi32, #tpu.memory_space<hbm>>
        %dma_wait3A_55 = tpu.memref_squeeze %dma_wait3A_54 : memref<1x51x256xi32, #tpu.memory_space<hbm>> -> memref<51x256xi32, #tpu.memory_space<hbm>>
        %dma_wait3A_56 = arith.constant 0 : i32
        %dma_wait3A_57 = arith.constant 0 : i32
        %dma_wait3A_58 = tpu.memref_slice %arg3[%arg1, %dma_wait3A_56, %dma_wait3A_57] : memref<16x79x256xi32, #tpu.memory_space<hbm>> -> memref<1x51x256xi32, #tpu.memory_space<hbm>>
        %dma_wait3A_59 = tpu.memref_squeeze %dma_wait3A_58 : memref<1x51x256xi32, #tpu.memory_space<hbm>> -> memref<51x256xi32, #tpu.memory_space<hbm>>
        tpu.wait_dma2 semaphore(%run_scoped3A : memref<!tpu.dma_semaphore, #tpu.memory_space<semaphore_mem>>) src(%dma_wait3A_59 : memref<51x256xi32, #tpu.memory_space<hbm>>) dst(%arg6 : memref<51x256xi32, #tpu.memory_space<vmem>>)
        tpu.yield
      }) : () -> ()
      "tpu.region"() ({
        %run_scoped3A = tpu.sem_alloc : memref<!tpu.dma_semaphore, #tpu.memory_space<semaphore_mem>>
        %dma_start3A = arith.constant 0 : i32
        %dma_start3A_46 = arith.constant 0 : i32
        %dma_start3A_47 = tpu.memref_slice %arg4[%arg1, %dma_start3A, %dma_start3A_46] : memref<16x79x256xi32, #tpu.memory_space<hbm>> -> memref<1x51x256xi32, #tpu.memory_space<hbm>>
        %dma_start3A_48 = tpu.memref_squeeze %dma_start3A_47 : memref<1x51x256xi32, #tpu.memory_space<hbm>> -> memref<51x256xi32, #tpu.memory_space<hbm>>
        %dma_start3A_49 = arith.constant 0 : i32
        %dma_start3A_50 = arith.constant 0 : i32
        %dma_start3A_51 = tpu.memref_slice %arg4[%arg1, %dma_start3A_49, %dma_start3A_50] : memref<16x79x256xi32, #tpu.memory_space<hbm>> -> memref<1x51x256xi32, #tpu.memory_space<hbm>>
        %dma_start3A_52 = tpu.memref_squeeze %dma_start3A_51 : memref<1x51x256xi32, #tpu.memory_space<hbm>> -> memref<51x256xi32, #tpu.memory_space<hbm>>
        tpu.enqueue_dma source(%dma_start3A_52 : memref<51x256xi32, #tpu.memory_space<hbm>>) target(%arg7 : memref<51x256xi32, #tpu.memory_space<vmem>>) target_semaphore(%run_scoped3A : memref<!tpu.dma_semaphore, #tpu.memory_space<semaphore_mem>>)
        %dma_wait3A = arith.constant 0 : i32
        %dma_wait3A_53 = arith.constant 0 : i32
        %dma_wait3A_54 = tpu.memref_slice %arg4[%arg1, %dma_wait3A, %dma_wait3A_53] : memref<16x79x256xi32, #tpu.memory_space<hbm>> -> memref<1x51x256xi32, #tpu.memory_space<hbm>>
        %dma_wait3A_55 = tpu.memref_squeeze %dma_wait3A_54 : memref<1x51x256xi32, #tpu.memory_space<hbm>> -> memref<51x256xi32, #tpu.memory_space<hbm>>
        %dma_wait3A_56 = arith.constant 0 : i32
        %dma_wait3A_57 = arith.constant 0 : i32
        %dma_wait3A_58 = tpu.memref_slice %arg4[%arg1, %dma_wait3A_56, %dma_wait3A_57] : memref<16x79x256xi32, #tpu.memory_space<hbm>> -> memref<1x51x256xi32, #tpu.memory_space<hbm>>
        %dma_wait3A_59 = tpu.memref_squeeze %dma_wait3A_58 : memref<1x51x256xi32, #tpu.memory_space<hbm>> -> memref<51x256xi32, #tpu.memory_space<hbm>>
        tpu.wait_dma2 semaphore(%run_scoped3A : memref<!tpu.dma_semaphore, #tpu.memory_space<semaphore_mem>>) src(%dma_wait3A_59 : memref<51x256xi32, #tpu.memory_space<hbm>>) dst(%arg7 : memref<51x256xi32, #tpu.memory_space<vmem>>)
        tpu.yield
      }) : () -> ()
    } else {
    }
    %ne3A = arith.constant 0 : i32
    %ne3A_25 = arith.cmpi ne, %arg0, %ne3A : i32
    %convert_element_type3A_26 = arith.extui %ne3A_25 : i1 to i32
    %cond3A_27 = arith.constant 0 : i32
    %cond3A_28 = arith.cmpi ne, %convert_element_type3A_26, %cond3A_27 : i32
    scf.if %cond3A_28 {
      "tpu.region"() ({
        %run_scoped3A = tpu.sem_alloc : memref<!tpu.dma_semaphore, #tpu.memory_space<semaphore_mem>>
        %dma_start3A = arith.constant 0 : i32
        %dma_start3A_46 = arith.constant 0 : i32
        %dma_start3A_47 = tpu.memref_slice %arg6[%dma_start3A, %dma_start3A_46] : memref<51x256xi32, #tpu.memory_space<vmem>> -> memref<28x256xi32, #tpu.memory_space<vmem>>
        %dma_start3A_48 = arith.constant 51 : i32
        %dma_start3A_49 = arith.constant 0 : i32
        %dma_start3A_50 = tpu.memref_slice %arg3[%arg1, %dma_start3A_48, %dma_start3A_49] : memref<16x79x256xi32, #tpu.memory_space<hbm>> -> memref<1x28x256xi32, #tpu.memory_space<hbm>>
        %dma_start3A_51 = tpu.memref_squeeze %dma_start3A_50 : memref<1x28x256xi32, #tpu.memory_space<hbm>> -> memref<28x256xi32, #tpu.memory_space<hbm>>
        %dma_start3A_52 = arith.constant 0 : i32
        %dma_start3A_53 = arith.constant 0 : i32
        %dma_start3A_54 = tpu.memref_slice %arg6[%dma_start3A_52, %dma_start3A_53] : memref<51x256xi32, #tpu.memory_space<vmem>> -> memref<28x256xi32, #tpu.memory_space<vmem>>
        %dma_start3A_55 = arith.constant 51 : i32
        %dma_start3A_56 = arith.constant 0 : i32
        %dma_start3A_57 = tpu.memref_slice %arg3[%arg1, %dma_start3A_55, %dma_start3A_56] : memref<16x79x256xi32, #tpu.memory_space<hbm>> -> memref<1x28x256xi32, #tpu.memory_space<hbm>>
        %dma_start3A_58 = tpu.memref_squeeze %dma_start3A_57 : memref<1x28x256xi32, #tpu.memory_space<hbm>> -> memref<28x256xi32, #tpu.memory_space<hbm>>
        tpu.enqueue_dma source(%dma_start3A_58 : memref<28x256xi32, #tpu.memory_space<hbm>>) target(%dma_start3A_54 : memref<28x256xi32, #tpu.memory_space<vmem>>) target_semaphore(%run_scoped3A : memref<!tpu.dma_semaphore, #tpu.memory_space<semaphore_mem>>)
        %dma_wait3A = arith.constant 0 : i32
        %dma_wait3A_59 = arith.constant 0 : i32
        %dma_wait3A_60 = tpu.memref_slice %arg6[%dma_wait3A, %dma_wait3A_59] : memref<51x256xi32, #tpu.memory_space<vmem>> -> memref<28x256xi32, #tpu.memory_space<vmem>>
        %dma_wait3A_61 = arith.constant 51 : i32
        %dma_wait3A_62 = arith.constant 0 : i32
        %dma_wait3A_63 = tpu.memref_slice %arg3[%arg1, %dma_wait3A_61, %dma_wait3A_62] : memref<16x79x256xi32, #tpu.memory_space<hbm>> -> memref<1x28x256xi32, #tpu.memory_space<hbm>>
        %dma_wait3A_64 = tpu.memref_squeeze %dma_wait3A_63 : memref<1x28x256xi32, #tpu.memory_space<hbm>> -> memref<28x256xi32, #tpu.memory_space<hbm>>
        %dma_wait3A_65 = arith.constant 0 : i32
        %dma_wait3A_66 = arith.constant 0 : i32
        %dma_wait3A_67 = tpu.memref_slice %arg6[%dma_wait3A_65, %dma_wait3A_66] : memref<51x256xi32, #tpu.memory_space<vmem>> -> memref<28x256xi32, #tpu.memory_space<vmem>>
        %dma_wait3A_68 = arith.constant 51 : i32
        %dma_wait3A_69 = arith.constant 0 : i32
        %dma_wait3A_70 = tpu.memref_slice %arg3[%arg1, %dma_wait3A_68, %dma_wait3A_69] : memref<16x79x256xi32, #tpu.memory_space<hbm>> -> memref<1x28x256xi32, #tpu.memory_space<hbm>>
        %dma_wait3A_71 = tpu.memref_squeeze %dma_wait3A_70 : memref<1x28x256xi32, #tpu.memory_space<hbm>> -> memref<28x256xi32, #tpu.memory_space<hbm>>
        tpu.wait_dma2 semaphore(%run_scoped3A : memref<!tpu.dma_semaphore, #tpu.memory_space<semaphore_mem>>) src(%dma_wait3A_71 : memref<28x256xi32, #tpu.memory_space<hbm>>) dst(%dma_wait3A_67 : memref<28x256xi32, #tpu.memory_space<vmem>>)
        tpu.yield
      }) : () -> ()
      "tpu.region"() ({
        %run_scoped3A = tpu.sem_alloc : memref<!tpu.dma_semaphore, #tpu.memory_space<semaphore_mem>>
        %dma_start3A = arith.constant 0 : i32
        %dma_start3A_46 = arith.constant 0 : i32
        %dma_start3A_47 = tpu.memref_slice %arg7[%dma_start3A, %dma_start3A_46] : memref<51x256xi32, #tpu.memory_space<vmem>> -> memref<28x256xi32, #tpu.memory_space<vmem>>
        %dma_start3A_48 = arith.constant 51 : i32
        %dma_start3A_49 = arith.constant 0 : i32
        %dma_start3A_50 = tpu.memref_slice %arg4[%arg1, %dma_start3A_48, %dma_start3A_49] : memref<16x79x256xi32, #tpu.memory_space<hbm>> -> memref<1x28x256xi32, #tpu.memory_space<hbm>>
        %dma_start3A_51 = tpu.memref_squeeze %dma_start3A_50 : memref<1x28x256xi32, #tpu.memory_space<hbm>> -> memref<28x256xi32, #tpu.memory_space<hbm>>
        %dma_start3A_52 = arith.constant 0 : i32
        %dma_start3A_53 = arith.constant 0 : i32
        %dma_start3A_54 = tpu.memref_slice %arg7[%dma_start3A_52, %dma_start3A_53] : memref<51x256xi32, #tpu.memory_space<vmem>> -> memref<28x256xi32, #tpu.memory_space<vmem>>
        %dma_start3A_55 = arith.constant 51 : i32
        %dma_start3A_56 = arith.constant 0 : i32
        %dma_start3A_57 = tpu.memref_slice %arg4[%arg1, %dma_start3A_55, %dma_start3A_56] : memref<16x79x256xi32, #tpu.memory_space<hbm>> -> memref<1x28x256xi32, #tpu.memory_space<hbm>>
        %dma_start3A_58 = tpu.memref_squeeze %dma_start3A_57 : memref<1x28x256xi32, #tpu.memory_space<hbm>> -> memref<28x256xi32, #tpu.memory_space<hbm>>
        tpu.enqueue_dma source(%dma_start3A_58 : memref<28x256xi32, #tpu.memory_space<hbm>>) target(%dma_start3A_54 : memref<28x256xi32, #tpu.memory_space<vmem>>) target_semaphore(%run_scoped3A : memref<!tpu.dma_semaphore, #tpu.memory_space<semaphore_mem>>)
        %dma_wait3A = arith.constant 0 : i32
        %dma_wait3A_59 = arith.constant 0 : i32
        %dma_wait3A_60 = tpu.memref_slice %arg7[%dma_wait3A, %dma_wait3A_59] : memref<51x256xi32, #tpu.memory_space<vmem>> -> memref<28x256xi32, #tpu.memory_space<vmem>>
        %dma_wait3A_61 = arith.constant 51 : i32
        %dma_wait3A_62 = arith.constant 0 : i32
        %dma_wait3A_63 = tpu.memref_slice %arg4[%arg1, %dma_wait3A_61, %dma_wait3A_62] : memref<16x79x256xi32, #tpu.memory_space<hbm>> -> memref<1x28x256xi32, #tpu.memory_space<hbm>>
        %dma_wait3A_64 = tpu.memref_squeeze %dma_wait3A_63 : memref<1x28x256xi32, #tpu.memory_space<hbm>> -> memref<28x256xi32, #tpu.memory_space<hbm>>
        %dma_wait3A_65 = arith.constant 0 : i32
        %dma_wait3A_66 = arith.constant 0 : i32
        %dma_wait3A_67 = tpu.memref_slice %arg7[%dma_wait3A_65, %dma_wait3A_66] : memref<51x256xi32, #tpu.memory_space<vmem>> -> memref<28x256xi32, #tpu.memory_space<vmem>>
        %dma_wait3A_68 = arith.constant 51 : i32
        %dma_wait3A_69 = arith.constant 0 : i32
        %dma_wait3A_70 = tpu.memref_slice %arg4[%arg1, %dma_wait3A_68, %dma_wait3A_69] : memref<16x79x256xi32, #tpu.memory_space<hbm>> -> memref<1x28x256xi32, #tpu.memory_space<hbm>>
        %dma_wait3A_71 = tpu.memref_squeeze %dma_wait3A_70 : memref<1x28x256xi32, #tpu.memory_space<hbm>> -> memref<28x256xi32, #tpu.memory_space<hbm>>
        tpu.wait_dma2 semaphore(%run_scoped3A : memref<!tpu.dma_semaphore, #tpu.memory_space<semaphore_mem>>) src(%dma_wait3A_71 : memref<28x256xi32, #tpu.memory_space<hbm>>) dst(%dma_wait3A_67 : memref<28x256xi32, #tpu.memory_space<vmem>>)
        tpu.yield
      }) : () -> ()
    } else {
    }
    %barrier3A = arith.constant 0 : index
    tpu.barrier barrier_id(%barrier3A)
    %eq3A_29 = arith.constant 0 : i32
    %eq3A_30 = arith.cmpi eq, %arg0, %eq3A_29 : i32
    %jit3A = arith.constant 51 : i32
    %jit3A_31 = arith.constant 28 : i32
    %select_n3A = arith.select %eq3A_30, %jit3A, %jit3A_31 : i32
    %while3A = arith.constant 0 : i32
    %while3A_32 = arith.constant 0 : i32
    %while3A_33 = arith.subi %select_n3A, %while3A_32 : i32
    %while3A_34 = arith.addi %while3A_32, %while3A_33 : i32
    %while3A_35 = arith.constant 1 : i32
    %while3A_36 = arith.divsi %while3A_33, %while3A_35 : i32
    %while3A_37 = arith.muli %while3A_36, %while3A_35 : i32
    %while3A_38 = arith.addi %while3A_32, %while3A_37 : i32
    %while3A_39 = arith.constant 1 : i32
    scf.for %while3A_46 = %while3A_32 to %while3A_38 step %while3A_39  : i32 {
      %dma_start3A = arith.constant 0 : i32
      %dma_start3A_47 = tpu.memref_slice %arg6[%while3A_46, %dma_start3A] : memref<51x256xi32, #tpu.memory_space<vmem>> -> memref<1x256xi32, #tpu.memory_space<vmem>>
      %dma_start3A_48 = tpu.memref_squeeze %dma_start3A_47 : memref<1x256xi32, #tpu.memory_space<vmem>> -> memref<256xi32, #tpu.memory_space<vmem>>
      %dma_start3A_49 = arith.constant 0 : i32
      %dma_start3A_50 = arith.constant 0 : i32
      %dma_start3A_51 = tpu.memref_slice %arg2[%dma_start3A_49, %dma_start3A_50] : memref<10240x40xf32, #tpu.memory_space<hbm>> -> memref<10240x40xf32, #tpu.memory_space<hbm>>
      tpu.enqueue_indirect_dma source(%dma_start3A_51 : memref<10240x40xf32, #tpu.memory_space<hbm>>) target(%arg8 : memref<256x40xf32, #tpu.memory_space<vmem>>) offsets(%dma_start3A_48 : memref<256xi32, #tpu.memory_space<vmem>>) semaphore(%arg10 : memref<!tpu.dma_semaphore, #tpu.memory_space<semaphore_mem>>)
      %dma_wait3A = arith.constant 0 : i32
      %dma_wait3A_52 = tpu.memref_slice %arg6[%while3A_46, %dma_wait3A] : memref<51x256xi32, #tpu.memory_space<vmem>> -> memref<1x256xi32, #tpu.memory_space<vmem>>
      %dma_wait3A_53 = tpu.memref_squeeze %dma_wait3A_52 : memref<1x256xi32, #tpu.memory_space<vmem>> -> memref<256xi32, #tpu.memory_space<vmem>>
      %dma_wait3A_54 = arith.constant 0 : i32
      %dma_wait3A_55 = arith.constant 0 : i32
      %dma_wait3A_56 = tpu.memref_slice %arg2[%dma_wait3A_54, %dma_wait3A_55] : memref<10240x40xf32, #tpu.memory_space<hbm>> -> memref<10240x40xf32, #tpu.memory_space<hbm>>
      tpu.wait_indirect_dma semaphore(%arg10 : memref<!tpu.dma_semaphore, #tpu.memory_space<semaphore_mem>>) src(%dma_wait3A_56 : memref<10240x40xf32, #tpu.memory_space<hbm>>) dst(%arg8 : memref<256x40xf32, #tpu.memory_space<vmem>>)
      "tpu.region"() ({
        %run_scoped3A = tpu.sem_alloc : memref<!tpu.dma_semaphore, #tpu.memory_space<semaphore_mem>>
        %dma_start3A_57 = arith.constant 0 : i32
        %dma_start3A_58 = tpu.memref_slice %arg7[%while3A_46, %dma_start3A_57] : memref<51x256xi32, #tpu.memory_space<vmem>> -> memref<1x256xi32, #tpu.memory_space<vmem>>
        %dma_start3A_59 = tpu.memref_squeeze %dma_start3A_58 : memref<1x256xi32, #tpu.memory_space<vmem>> -> memref<256xi32, #tpu.memory_space<vmem>>
        %dma_start3A_60 = arith.constant 0 : i32
        %dma_start3A_61 = arith.constant 0 : i32
        %dma_start3A_62 = tpu.memref_slice %arg9[%dma_start3A_60, %dma_start3A_61] : memref<10240x40xf32, #tpu.memory_space<vmem_shared>> -> memref<10240x40xf32, #tpu.memory_space<vmem_shared>>
        tpu.enqueue_indirect_dma source(%arg8 : memref<256x40xf32, #tpu.memory_space<vmem>>) target(%dma_start3A_62 : memref<10240x40xf32, #tpu.memory_space<vmem_shared>>) offsets(%dma_start3A_59 : memref<256xi32, #tpu.memory_space<vmem>>) semaphore(%run_scoped3A : memref<!tpu.dma_semaphore, #tpu.memory_space<semaphore_mem>>) {add = true}
        %dma_wait3A_63 = arith.constant 0 : i32
        %dma_wait3A_64 = tpu.memref_slice %arg7[%while3A_46, %dma_wait3A_63] : memref<51x256xi32, #tpu.memory_space<vmem>> -> memref<1x256xi32, #tpu.memory_space<vmem>>
        %dma_wait3A_65 = tpu.memref_squeeze %dma_wait3A_64 : memref<1x256xi32, #tpu.memory_space<vmem>> -> memref<256xi32, #tpu.memory_space<vmem>>
        %dma_wait3A_66 = arith.constant 0 : i32
        %dma_wait3A_67 = arith.constant 0 : i32
        %dma_wait3A_68 = tpu.memref_slice %arg9[%dma_wait3A_66, %dma_wait3A_67] : memref<10240x40xf32, #tpu.memory_space<vmem_shared>> -> memref<10240x40xf32, #tpu.memory_space<vmem_shared>>
        tpu.wait_indirect_dma semaphore(%run_scoped3A : memref<!tpu.dma_semaphore, #tpu.memory_space<semaphore_mem>>) src(%arg8 : memref<256x40xf32, #tpu.memory_space<vmem>>) dst(%dma_wait3A_68 : memref<10240x40xf32, #tpu.memory_space<vmem_shared>>)
        tpu.yield
      }) : () -> ()
    }
    %while3A_40 = arith.constant 1 : i32
    scf.for %while3A_46 = %while3A_38 to %while3A_34 step %while3A_40  : i32 {
      %dma_start3A = arith.constant 0 : i32
      %dma_start3A_47 = tpu.memref_slice %arg6[%while3A_46, %dma_start3A] : memref<51x256xi32, #tpu.memory_space<vmem>> -> memref<1x256xi32, #tpu.memory_space<vmem>>
      %dma_start3A_48 = tpu.memref_squeeze %dma_start3A_47 : memref<1x256xi32, #tpu.memory_space<vmem>> -> memref<256xi32, #tpu.memory_space<vmem>>
      %dma_start3A_49 = arith.constant 0 : i32
      %dma_start3A_50 = arith.constant 0 : i32
      %dma_start3A_51 = tpu.memref_slice %arg2[%dma_start3A_49, %dma_start3A_50] : memref<10240x40xf32, #tpu.memory_space<hbm>> -> memref<10240x40xf32, #tpu.memory_space<hbm>>
      tpu.enqueue_indirect_dma source(%dma_start3A_51 : memref<10240x40xf32, #tpu.memory_space<hbm>>) target(%arg8 : memref<256x40xf32, #tpu.memory_space<vmem>>) offsets(%dma_start3A_48 : memref<256xi32, #tpu.memory_space<vmem>>) semaphore(%arg10 : memref<!tpu.dma_semaphore, #tpu.memory_space<semaphore_mem>>)
      %dma_wait3A = arith.constant 0 : i32
      %dma_wait3A_52 = tpu.memref_slice %arg6[%while3A_46, %dma_wait3A] : memref<51x256xi32, #tpu.memory_space<vmem>> -> memref<1x256xi32, #tpu.memory_space<vmem>>
      %dma_wait3A_53 = tpu.memref_squeeze %dma_wait3A_52 : memref<1x256xi32, #tpu.memory_space<vmem>> -> memref<256xi32, #tpu.memory_space<vmem>>
      %dma_wait3A_54 = arith.constant 0 : i32
      %dma_wait3A_55 = arith.constant 0 : i32
      %dma_wait3A_56 = tpu.memref_slice %arg2[%dma_wait3A_54, %dma_wait3A_55] : memref<10240x40xf32, #tpu.memory_space<hbm>> -> memref<10240x40xf32, #tpu.memory_space<hbm>>
      tpu.wait_indirect_dma semaphore(%arg10 : memref<!tpu.dma_semaphore, #tpu.memory_space<semaphore_mem>>) src(%dma_wait3A_56 : memref<10240x40xf32, #tpu.memory_space<hbm>>) dst(%arg8 : memref<256x40xf32, #tpu.memory_space<vmem>>)
      "tpu.region"() ({
        %run_scoped3A = tpu.sem_alloc : memref<!tpu.dma_semaphore, #tpu.memory_space<semaphore_mem>>
        %dma_start3A_57 = arith.constant 0 : i32
        %dma_start3A_58 = tpu.memref_slice %arg7[%while3A_46, %dma_start3A_57] : memref<51x256xi32, #tpu.memory_space<vmem>> -> memref<1x256xi32, #tpu.memory_space<vmem>>
        %dma_start3A_59 = tpu.memref_squeeze %dma_start3A_58 : memref<1x256xi32, #tpu.memory_space<vmem>> -> memref<256xi32, #tpu.memory_space<vmem>>
        %dma_start3A_60 = arith.constant 0 : i32
        %dma_start3A_61 = arith.constant 0 : i32
        %dma_start3A_62 = tpu.memref_slice %arg9[%dma_start3A_60, %dma_start3A_61] : memref<10240x40xf32, #tpu.memory_space<vmem_shared>> -> memref<10240x40xf32, #tpu.memory_space<vmem_shared>>
        tpu.enqueue_indirect_dma source(%arg8 : memref<256x40xf32, #tpu.memory_space<vmem>>) target(%dma_start3A_62 : memref<10240x40xf32, #tpu.memory_space<vmem_shared>>) offsets(%dma_start3A_59 : memref<256xi32, #tpu.memory_space<vmem>>) semaphore(%run_scoped3A : memref<!tpu.dma_semaphore, #tpu.memory_space<semaphore_mem>>) {add = true}
        %dma_wait3A_63 = arith.constant 0 : i32
        %dma_wait3A_64 = tpu.memref_slice %arg7[%while3A_46, %dma_wait3A_63] : memref<51x256xi32, #tpu.memory_space<vmem>> -> memref<1x256xi32, #tpu.memory_space<vmem>>
        %dma_wait3A_65 = tpu.memref_squeeze %dma_wait3A_64 : memref<1x256xi32, #tpu.memory_space<vmem>> -> memref<256xi32, #tpu.memory_space<vmem>>
        %dma_wait3A_66 = arith.constant 0 : i32
        %dma_wait3A_67 = arith.constant 0 : i32
        %dma_wait3A_68 = tpu.memref_slice %arg9[%dma_wait3A_66, %dma_wait3A_67] : memref<10240x40xf32, #tpu.memory_space<vmem_shared>> -> memref<10240x40xf32, #tpu.memory_space<vmem_shared>>
        tpu.wait_indirect_dma semaphore(%run_scoped3A : memref<!tpu.dma_semaphore, #tpu.memory_space<semaphore_mem>>) src(%arg8 : memref<256x40xf32, #tpu.memory_space<vmem>>) dst(%dma_wait3A_68 : memref<10240x40xf32, #tpu.memory_space<vmem_shared>>)
        tpu.yield
      }) : () -> ()
    }
    %barrier3A_41 = arith.constant 0 : index
    tpu.barrier barrier_id(%barrier3A_41)
    %mul3A_42 = arith.constant 640 : i32
    %mul3A_43 = arith.muli %arg1, %mul3A_42 : i32
    %mul3A_44 = arith.constant 640 : i32
    %mul3A_45 = arith.muli %arg1, %mul3A_44 : i32
    "tpu.region"() ({
      %run_scoped3A = tpu.sem_alloc : memref<!tpu.dma_semaphore, #tpu.memory_space<semaphore_mem>>
      %dma_start3A = arith.constant 0 : i32
      %dma_start3A_46 = tpu.memref_slice %arg5[%arg0, %mul3A_45, %dma_start3A] : memref<2x10240x40xf32, #tpu.memory_space<hbm>> -> memref<1x640x40xf32, #tpu.memory_space<hbm>>
      %dma_start3A_47 = tpu.memref_squeeze %dma_start3A_46 : memref<1x640x40xf32, #tpu.memory_space<hbm>> -> memref<640x40xf32, #tpu.memory_space<hbm>>
      %dma_start3A_48 = arith.constant 0 : i32
      %dma_start3A_49 = tpu.memref_slice %arg9[%mul3A_43, %dma_start3A_48] : memref<10240x40xf32, #tpu.memory_space<vmem_shared>> -> memref<640x40xf32, #tpu.memory_space<vmem_shared>>
      tpu.enqueue_dma source(%dma_start3A_49 : memref<640x40xf32, #tpu.memory_space<vmem_shared>>) target(%dma_start3A_47 : memref<640x40xf32, #tpu.memory_space<hbm>>) target_semaphore(%run_scoped3A : memref<!tpu.dma_semaphore, #tpu.memory_space<semaphore_mem>>)
      %dma_wait3A = arith.constant 0 : i32
      %dma_wait3A_50 = tpu.memref_slice %arg5[%arg0, %mul3A_45, %dma_wait3A] : memref<2x10240x40xf32, #tpu.memory_space<hbm>> -> memref<1x640x40xf32, #tpu.memory_space<hbm>>
      %dma_wait3A_51 = tpu.memref_squeeze %dma_wait3A_50 : memref<1x640x40xf32, #tpu.memory_space<hbm>> -> memref<640x40xf32, #tpu.memory_space<hbm>>
      %dma_wait3A_52 = arith.constant 0 : i32
      %dma_wait3A_53 = tpu.memref_slice %arg9[%mul3A_43, %dma_wait3A_52] : memref<10240x40xf32, #tpu.memory_space<vmem_shared>> -> memref<640x40xf32, #tpu.memory_space<vmem_shared>>
      tpu.wait_dma2 semaphore(%run_scoped3A : memref<!tpu.dma_semaphore, #tpu.memory_space<semaphore_mem>>) src(%dma_wait3A_53 : memref<640x40xf32, #tpu.memory_space<vmem_shared>>) dst(%dma_wait3A_51 : memref<640x40xf32, #tpu.memory_space<hbm>>)
      tpu.yield
    }) : () -> ()
    return
  }
}

module attributes {stable_mosaic.version = 14 : i64} {
  func.func @_mm1_body(%arg0: i32, %arg1: memref<512x128xf32, #tpu.memory_space<vmem>>, %arg2: memref<128x128xf32, #tpu.memory_space<vmem>>, %arg3: memref<128x128xf32, #tpu.memory_space<vmem>>, %arg4: memref<512x136xf32, #tpu.memory_space<vmem>>, %arg5: memref<512x128xf32, #tpu.memory_space<vmem>>) attributes {dimension_semantics = [#tpu.dimension_semantics<arbitrary>], iteration_bounds = array<i64: 20>, scalar_prefetch = 0 : i64, scratch_operands = 0 : i64, tpu.core_type = #tpu.core_type<tc>, window_params = [{transform_indices = @transform_0, window_bounds = array<i64: 512, 128>}, {pipeline_mode = #tpu.pipeline_mode<synchronous>, transform_indices = @transform_1, window_bounds = array<i64: 128, 128>}, {pipeline_mode = #tpu.pipeline_mode<synchronous>, transform_indices = @transform_2, window_bounds = array<i64: 128, 128>}, {transform_indices = @transform_3, window_bounds = array<i64: 512, 136>}, {transform_indices = @transform_4, window_bounds = array<i64: 512, 128>}]} {
    %get3A = arith.constant 0 : index
    %get3A_0 = arith.constant 0 : index
    %get3A_1 = vector.load %arg1[%get3A, %get3A_0] : memref<512x128xf32, #tpu.memory_space<vmem>>, vector<512x128xf32>
    %get3A_2 = arith.constant 0 : index
    %get3A_3 = arith.constant 0 : index
    %get3A_4 = vector.load %arg2[%get3A_2, %get3A_3] : memref<128x128xf32, #tpu.memory_space<vmem>>, vector<128x128xf32>
    %dot_general3A = arith.constant dense<0.000000e+00> : vector<512x128xf32>
    %dot_general3A_5 = tpu.matmul %get3A_1, %get3A_4, %dot_general3A {dimension_numbers = #tpu.dot_dimension_numbers<[1], [0], [0], [1], [0, 0, 1, 1], [], []>, transpose_lhs_hint = false} : vector<512x128xf32>, vector<128x128xf32>, vector<512x128xf32> -> vector<512x128xf32>
    %mul3A = arith.constant 512 : i32
    %mul3A_6 = arith.muli %arg0, %mul3A : i32
    %iota3A = tpu.iota {dimensions = array<i32: 0>} : vector<512x8xi32>
    %add3A = vector.broadcast %mul3A_6 : i32 to vector<512x8xi32>
    %add3A_7 = arith.addi %add3A, %iota3A : vector<512x8xi32>
    %iota3A_8 = tpu.iota {dimensions = array<i32: 1>} : vector<512x8xi32>
    %lt3A = arith.constant 10000 : i32
    %lt3A_9 = vector.broadcast %lt3A : i32 to vector<512x8xi32>
    %lt3A_10 = arith.cmpi slt, %add3A_7, %lt3A_9 : vector<512x8xi32>
    %eq3A = arith.constant 0 : i32
    %eq3A_11 = vector.broadcast %eq3A : i32 to vector<512x8xi32>
    %eq3A_12 = arith.cmpi eq, %iota3A_8, %eq3A_11 : vector<512x8xi32>
    %and3A = arith.andi %lt3A_10, %eq3A_12 : vector<512x8xi1>
    %jit3A = arith.constant 1.000000e+00 : f32
    %jit3A_13 = arith.constant 0.000000e+00 : f32
    %broadcast_in_dim3A = vector.broadcast %jit3A : f32 to vector<512x8xf32>
    %broadcast_in_dim3A_14 = vector.broadcast %jit3A_13 : f32 to vector<512x8xf32>
    %select_n3A = arith.select %and3A, %broadcast_in_dim3A, %broadcast_in_dim3A_14 : vector<512x8xi1>, vector<512x8xf32>
    %concatenate3A = tpu.concatenate %dot_general3A_5, %select_n3A in 1 : vector<512x128xf32>, vector<512x8xf32> -> vector<512x136xf32>
    %swap3A = arith.constant 0 : index
    %swap3A_15 = arith.constant 0 : index
    %swap3A_16 = vector.load %arg4[%swap3A, %swap3A_15] : memref<512x136xf32, #tpu.memory_space<vmem>>, vector<512x136xf32>
    tpu.vector_store %arg4[%swap3A, %swap3A_15], %concatenate3A {strides = array<i32>} : memref<512x136xf32, #tpu.memory_space<vmem>>, vector<512x136xf32>,
    %get3A_17 = arith.constant 0 : index
    %get3A_18 = arith.constant 0 : index
    %get3A_19 = vector.load %arg3[%get3A_17, %get3A_18] : memref<128x128xf32, #tpu.memory_space<vmem>>, vector<128x128xf32>
    %dot_general3A_20 = arith.constant dense<0.000000e+00> : vector<512x128xf32>
    %dot_general3A_21 = tpu.matmul %get3A_1, %get3A_19, %dot_general3A_20 {dimension_numbers = #tpu.dot_dimension_numbers<[1], [0], [0], [1], [0, 0, 1, 1], [], []>, transpose_lhs_hint = false} : vector<512x128xf32>, vector<128x128xf32>, vector<512x128xf32> -> vector<512x128xf32>
    %swap3A_22 = arith.constant 0 : index
    %swap3A_23 = arith.constant 0 : index
    %swap3A_24 = vector.load %arg5[%swap3A_22, %swap3A_23] : memref<512x128xf32, #tpu.memory_space<vmem>>, vector<512x128xf32>
    tpu.vector_store %arg5[%swap3A_22, %swap3A_23], %dot_general3A_21 {strides = array<i32>} : memref<512x128xf32, #tpu.memory_space<vmem>>, vector<512x128xf32>,
    return
  }
  func.func @transform_0(%arg0: i32) -> (i32, i32) {
    %c0_i32 = arith.constant 0 : i32
    %c0_i32_0 = arith.constant 0 : i32
    return %arg0, %c0_i32 : i32, i32
  }
  func.func @transform_1(%arg0: i32) -> (i32, i32) {
    %c0_i32 = arith.constant 0 : i32
    %c0_i32_0 = arith.constant 0 : i32
    %c0_i32_1 = arith.constant 0 : i32
    return %c0_i32, %c0_i32_0 : i32, i32
  }
  func.func @transform_2(%arg0: i32) -> (i32, i32) {
    %c0_i32 = arith.constant 0 : i32
    %c0_i32_0 = arith.constant 0 : i32
    %c0_i32_1 = arith.constant 0 : i32
    return %c0_i32, %c0_i32_0 : i32, i32
  }
  func.func @transform_3(%arg0: i32) -> (i32, i32) {
    %c0_i32 = arith.constant 0 : i32
    %c0_i32_0 = arith.constant 0 : i32
    return %arg0, %c0_i32 : i32, i32
  }
  func.func @transform_4(%arg0: i32) -> (i32, i32) {
    %c0_i32 = arith.constant 0 : i32
    %c0_i32_0 = arith.constant 0 : i32
    return %arg0, %c0_i32 : i32, i32
  }
}

module attributes {stable_mosaic.version = 14 : i64} {
  func.func @_mid_body(%arg0: i32, %arg1: memref<2x512x128xf32, #tpu.memory_space<vmem>>, %arg2: memref<2x512x8xf32, #tpu.memory_space<vmem>>, %arg3: memref<512x128xf32, #tpu.memory_space<vmem>>, %arg4: memref<1x128xf32, #tpu.memory_space<vmem>>, %arg5: memref<128x40xf32, #tpu.memory_space<vmem>>, %arg6: memref<128x40xf32, #tpu.memory_space<vmem>>, %arg7: memref<1x40xf32, #tpu.memory_space<vmem>>, %arg8: memref<512x40xf32, #tpu.memory_space<vmem>>, %arg9: memref<512x40xf32, #tpu.memory_space<vmem>>, %arg10: memref<512x8xf32, #tpu.memory_space<vmem>>) attributes {dimension_semantics = [#tpu.dimension_semantics<arbitrary>], iteration_bounds = array<i64: 20>, scalar_prefetch = 0 : i64, scratch_operands = 0 : i64, tpu.core_type = #tpu.core_type<tc>, window_params = [{transform_indices = @transform_0, window_bounds = array<i64: 2, 512, 128>}, {transform_indices = @transform_1, window_bounds = array<i64: 2, 512, 8>}, {transform_indices = @transform_2, window_bounds = array<i64: 512, 128>}, {pipeline_mode = #tpu.pipeline_mode<synchronous>, transform_indices = @transform_3, window_bounds = array<i64: 1, 128>}, {pipeline_mode = #tpu.pipeline_mode<synchronous>, transform_indices = @transform_4, window_bounds = array<i64: 128, 40>}, {pipeline_mode = #tpu.pipeline_mode<synchronous>, transform_indices = @transform_5, window_bounds = array<i64: 128, 40>}, {pipeline_mode = #tpu.pipeline_mode<synchronous>, transform_indices = @transform_6, window_bounds = array<i64: 1, 40>}, {transform_indices = @transform_7, window_bounds = array<i64: 512, 40>}, {transform_indices = @transform_8, window_bounds = array<i64: 512, 40>}, {transform_indices = @transform_9, window_bounds = array<i64: 512, 8>}]} {
    %get3A = arith.constant 0 : index
    %get3A_0 = arith.constant 0 : index
    %get3A_1 = arith.constant 0 : index
    %get3A_2 = vector.load %arg1[%get3A, %get3A_0, %get3A_1] : memref<2x512x128xf32, #tpu.memory_space<vmem>>, vector<1x512x128xf32>
    %get3A_3 = vector.shape_cast %get3A_2 : vector<1x512x128xf32> to vector<512x128xf32>
    %get3A_4 = arith.constant 1 : index
    %get3A_5 = arith.constant 0 : index
    %get3A_6 = arith.constant 0 : index
    %get3A_7 = vector.load %arg1[%get3A_4, %get3A_5, %get3A_6] : memref<2x512x128xf32, #tpu.memory_space<vmem>>, vector<1x512x128xf32>
    %get3A_8 = vector.shape_cast %get3A_7 : vector<1x512x128xf32> to vector<512x128xf32>
    %add3A = arith.addf %get3A_3, %get3A_8 : vector<512x128xf32>
    %get3A_9 = arith.constant 0 : index
    %get3A_10 = arith.constant 0 : index
    %get3A_11 = arith.constant 0 : index
    %get3A_12 = vector.load %arg2[%get3A_9, %get3A_10, %get3A_11] : memref<2x512x8xf32, #tpu.memory_space<vmem>>, vector<1x512x8xf32>
    %get3A_13 = vector.shape_cast %get3A_12 : vector<1x512x8xf32> to vector<512x8xf32>
    %get3A_14 = arith.constant 1 : index
    %get3A_15 = arith.constant 0 : index
    %get3A_16 = arith.constant 0 : index
    %get3A_17 = vector.load %arg2[%get3A_14, %get3A_15, %get3A_16] : memref<2x512x8xf32, #tpu.memory_space<vmem>>, vector<1x512x8xf32>
    %get3A_18 = vector.shape_cast %get3A_17 : vector<1x512x8xf32> to vector<512x8xf32>
    %add3A_19 = arith.addf %get3A_13, %get3A_18 : vector<512x8xf32>
    %slice3A = vector.extract_strided_slice %add3A_19 {offsets = [0, 0], sizes = [512, 1], strides = [1, 1]} : vector<512x8xf32> to vector<512x1xf32>
    %max3A = arith.constant 1.000000e+00 : f32
    %max3A_20 = vector.broadcast %max3A : f32 to vector<512x1xf32>
    %max3A_21 = arith.maximumf %slice3A, %max3A_20 : vector<512x1xf32>
    %div3A = arith.constant 1.000000e+00 : f32
    %div3A_22 = vector.broadcast %div3A : f32 to vector<512x1xf32>
    %div3A_23 = arith.divf %div3A_22, %max3A_21 : vector<512x1xf32>
    %mul3A = vector.broadcast %div3A_23 : vector<512x1xf32> to vector<512x128xf32>
    %mul3A_24 = arith.mulf %add3A, %mul3A : vector<512x128xf32>
    %get3A_25 = arith.constant 0 : index
    %get3A_26 = arith.constant 0 : index
    %get3A_27 = vector.load %arg4[%get3A_25, %get3A_26] : memref<1x128xf32, #tpu.memory_space<vmem>>, vector<1x128xf32>
    %add3A_28 = vector.broadcast %get3A_27 : vector<1x128xf32> to vector<512x128xf32>
    %add3A_29 = arith.addf %mul3A_24, %add3A_28 : vector<512x128xf32>
    %get3A_30 = arith.constant 0 : index
    %get3A_31 = arith.constant 0 : index
    %get3A_32 = vector.load %arg3[%get3A_30, %get3A_31] : memref<512x128xf32, #tpu.memory_space<vmem>>, vector<512x128xf32>
    %add3A_33 = arith.addf %add3A_29, %get3A_32 : vector<512x128xf32>
    %max3A_34 = arith.constant 0.000000e+00 : f32
    %max3A_35 = vector.broadcast %max3A_34 : f32 to vector<512x128xf32>
    %max3A_36 = arith.maximumf %add3A_33, %max3A_35 : vector<512x128xf32>
    %mul3A_37 = arith.constant 512 : i32
    %mul3A_38 = arith.muli %arg0, %mul3A_37 : i32
    %iota3A = tpu.iota {dimensions = array<i32: 0>} : vector<512x128xi32>
    %add3A_39 = vector.broadcast %mul3A_38 : i32 to vector<512x128xi32>
    %add3A_40 = arith.addi %add3A_39, %iota3A : vector<512x128xi32>
    %lt3A = arith.constant 10000 : i32
    %lt3A_41 = vector.broadcast %lt3A : i32 to vector<512x128xi32>
    %lt3A_42 = arith.cmpi slt, %add3A_40, %lt3A_41 : vector<512x128xi32>
    %jit3A = arith.constant 0.000000e+00 : f32
    %broadcast_in_dim3A = vector.broadcast %jit3A : f32 to vector<512x128xf32>
    %select_n3A = arith.select %lt3A_42, %max3A_36, %broadcast_in_dim3A : vector<512x128xi1>, vector<512x128xf32>
    %get3A_43 = arith.constant 0 : index
    %get3A_44 = arith.constant 0 : index
    %get3A_45 = vector.load %arg5[%get3A_43, %get3A_44] : memref<128x40xf32, #tpu.memory_space<vmem>>, vector<128x40xf32>
    %dot_general3A = arith.constant dense<0.000000e+00> : vector<512x40xf32>
    %dot_general3A_46 = tpu.matmul %select_n3A, %get3A_45, %dot_general3A {dimension_numbers = #tpu.dot_dimension_numbers<[1], [0], [0], [1], [0, 0, 1, 1], [], []>, transpose_lhs_hint = false} : vector<512x128xf32>, vector<128x40xf32>, vector<512x40xf32> -> vector<512x40xf32>
    %swap3A = arith.constant 0 : index
    %swap3A_47 = arith.constant 0 : index
    %swap3A_48 = vector.load %arg8[%swap3A, %swap3A_47] : memref<512x40xf32, #tpu.memory_space<vmem>>, vector<512x40xf32>
    tpu.vector_store %arg8[%swap3A, %swap3A_47], %dot_general3A_46 {strides = array<i32>} : memref<512x40xf32, #tpu.memory_space<vmem>>, vector<512x40xf32>,
    %get3A_49 = arith.constant 0 : index
    %get3A_50 = arith.constant 0 : index
    %get3A_51 = vector.load %arg6[%get3A_49, %get3A_50] : memref<128x40xf32, #tpu.memory_space<vmem>>, vector<128x40xf32>
    %dot_general3A_52 = arith.constant dense<0.000000e+00> : vector<512x40xf32>
    %dot_general3A_53 = tpu.matmul %select_n3A, %get3A_51, %dot_general3A_52 {dimension_numbers = #tpu.dot_dimension_numbers<[1], [0], [0], [1], [0, 0, 1, 1], [], []>, transpose_lhs_hint = false} : vector<512x128xf32>, vector<128x40xf32>, vector<512x40xf32> -> vector<512x40xf32>
    %get3A_54 = arith.constant 0 : index
    %get3A_55 = arith.constant 0 : index
    %get3A_56 = vector.load %arg7[%get3A_54, %get3A_55] : memref<1x40xf32, #tpu.memory_space<vmem>>, vector<1x40xf32>
    %add3A_57 = vector.broadcast %get3A_56 : vector<1x40xf32> to vector<512x40xf32>
    %add3A_58 = arith.addf %dot_general3A_53, %add3A_57 : vector<512x40xf32>
    %swap3A_59 = arith.constant 0 : index
    %swap3A_60 = arith.constant 0 : index
    %swap3A_61 = vector.load %arg9[%swap3A_59, %swap3A_60] : memref<512x40xf32, #tpu.memory_space<vmem>>, vector<512x40xf32>
    tpu.vector_store %arg9[%swap3A_59, %swap3A_60], %add3A_58 {strides = array<i32>} : memref<512x40xf32, #tpu.memory_space<vmem>>, vector<512x40xf32>,
    %broadcast_in_dim3A_62 = vector.shape_cast %div3A_23 : vector<512x1xf32> to vector<512x1xf32>
    %broadcast_in_dim3A_63 = vector.broadcast %broadcast_in_dim3A_62 : vector<512x1xf32> to vector<512x8xf32>
    %swap3A_64 = arith.constant 0 : index
    %swap3A_65 = arith.constant 0 : index
    %swap3A_66 = vector.load %arg10[%swap3A_64, %swap3A_65] : memref<512x8xf32, #tpu.memory_space<vmem>>, vector<512x8xf32>
    tpu.vector_store %arg10[%swap3A_64, %swap3A_65], %broadcast_in_dim3A_63 {strides = array<i32>} : memref<512x8xf32, #tpu.memory_space<vmem>>, vector<512x8xf32>,
    return
  }
  func.func @transform_0(%arg0: i32) -> (i32, i32, i32) {
    %c0_i32 = arith.constant 0 : i32
    %c0_i32_0 = arith.constant 0 : i32
    %c0_i32_1 = arith.constant 0 : i32
    return %c0_i32, %arg0, %c0_i32_0 : i32, i32, i32
  }
  func.func @transform_1(%arg0: i32) -> (i32, i32, i32) {
    %c0_i32 = arith.constant 0 : i32
    %c0_i32_0 = arith.constant 0 : i32
    %c0_i32_1 = arith.constant 0 : i32
    return %c0_i32, %arg0, %c0_i32_0 : i32, i32, i32
  }
  func.func @transform_2(%arg0: i32) -> (i32, i32) {
    %c0_i32 = arith.constant 0 : i32
    %c0_i32_0 = arith.constant 0 : i32
    return %arg0, %c0_i32 : i32, i32
  }
  func.func @transform_3(%arg0: i32) -> (i32, i32) {
    %c0_i32 = arith.constant 0 : i32
    %c0_i32_0 = arith.constant 0 : i32
    %c0_i32_1 = arith.constant 0 : i32
    return %c0_i32, %c0_i32_0 : i32, i32
  }
  func.func @transform_4(%arg0: i32) -> (i32, i32) {
    %c0_i32 = arith.constant 0 : i32
    %c0_i32_0 = arith.constant 0 : i32
    %c0_i32_1 = arith.constant 0 : i32
    return %c0_i32, %c0_i32_0 : i32, i32
  }
  func.func @transform_5(%arg0: i32) -> (i32, i32) {
    %c0_i32 = arith.constant 0 : i32
    %c0_i32_0 = arith.constant 0 : i32
    %c0_i32_1 = arith.constant 0 : i32
    return %c0_i32, %c0_i32_0 : i32, i32
  }
  func.func @transform_6(%arg0: i32) -> (i32, i32) {
    %c0_i32 = arith.constant 0 : i32
    %c0_i32_0 = arith.constant 0 : i32
    %c0_i32_1 = arith.constant 0 : i32
    return %c0_i32, %c0_i32_0 : i32, i32
  }
  func.func @transform_7(%arg0: i32) -> (i32, i32) {
    %c0_i32 = arith.constant 0 : i32
    %c0_i32_0 = arith.constant 0 : i32
    return %arg0, %c0_i32 : i32, i32
  }
  func.func @transform_8(%arg0: i32) -> (i32, i32) {
    %c0_i32 = arith.constant 0 : i32
    %c0_i32_0 = arith.constant 0 : i32
    return %arg0, %c0_i32 : i32, i32
  }
  func.func @transform_9(%arg0: i32) -> (i32, i32) {
    %c0_i32 = arith.constant 0 : i32
    %c0_i32_0 = arith.constant 0 : i32
    return %arg0, %c0_i32 : i32, i32
  }
}

module attributes {stable_mosaic.version = 14 : i64} {
  func.func @_out_body(%arg0: i32, %arg1: memref<2x2000x40xf32, #tpu.memory_space<vmem>>, %arg2: memref<2000x8xf32, #tpu.memory_space<vmem>>, %arg3: memref<2000x40xf32, #tpu.memory_space<vmem>>, %arg4: memref<2000x40xf32, #tpu.memory_space<vmem>>) attributes {dimension_semantics = [#tpu.dimension_semantics<arbitrary>], iteration_bounds = array<i64: 5>, scalar_prefetch = 0 : i64, scratch_operands = 0 : i64, tpu.core_type = #tpu.core_type<tc>, window_params = [{transform_indices = @transform_0, window_bounds = array<i64: 2, 2000, 40>}, {transform_indices = @transform_1, window_bounds = array<i64: 2000, 8>}, {transform_indices = @transform_2, window_bounds = array<i64: 2000, 40>}, {transform_indices = @transform_3, window_bounds = array<i64: 2000, 40>}]} {
    %get3A = arith.constant 0 : index
    %get3A_0 = arith.constant 0 : index
    %get3A_1 = arith.constant 0 : index
    %get3A_2 = vector.load %arg1[%get3A, %get3A_0, %get3A_1] : memref<2x2000x40xf32, #tpu.memory_space<vmem>>, vector<1x2000x40xf32>
    %get3A_3 = vector.shape_cast %get3A_2 : vector<1x2000x40xf32> to vector<2000x40xf32>
    %get3A_4 = arith.constant 1 : index
    %get3A_5 = arith.constant 0 : index
    %get3A_6 = arith.constant 0 : index
    %get3A_7 = vector.load %arg1[%get3A_4, %get3A_5, %get3A_6] : memref<2x2000x40xf32, #tpu.memory_space<vmem>>, vector<1x2000x40xf32>
    %get3A_8 = vector.shape_cast %get3A_7 : vector<1x2000x40xf32> to vector<2000x40xf32>
    %add3A = arith.addf %get3A_3, %get3A_8 : vector<2000x40xf32>
    %get3A_9 = arith.constant 0 : index
    %get3A_10 = arith.constant 0 : index
    %get3A_11 = vector.load %arg2[%get3A_9, %get3A_10] : memref<2000x8xf32, #tpu.memory_space<vmem>>, vector<2000x8xf32>
    %slice3A = vector.extract_strided_slice %get3A_11 {offsets = [0, 0], sizes = [2000, 1], strides = [1, 1]} : vector<2000x8xf32> to vector<2000x1xf32>
    %mul3A = vector.broadcast %slice3A : vector<2000x1xf32> to vector<2000x40xf32>
    %mul3A_12 = arith.mulf %add3A, %mul3A : vector<2000x40xf32>
    %get3A_13 = arith.constant 0 : index
    %get3A_14 = arith.constant 0 : index
    %get3A_15 = vector.load %arg3[%get3A_13, %get3A_14] : memref<2000x40xf32, #tpu.memory_space<vmem>>, vector<2000x40xf32>
    %add3A_16 = arith.addf %mul3A_12, %get3A_15 : vector<2000x40xf32>
    %swap3A = arith.constant 0 : index
    %swap3A_17 = arith.constant 0 : index
    %swap3A_18 = vector.load %arg4[%swap3A, %swap3A_17] : memref<2000x40xf32, #tpu.memory_space<vmem>>, vector<2000x40xf32>
    tpu.vector_store %arg4[%swap3A, %swap3A_17], %add3A_16 {strides = array<i32>} : memref<2000x40xf32, #tpu.memory_space<vmem>>, vector<2000x40xf32>,
    return
  }
  func.func @transform_0(%arg0: i32) -> (i32, i32, i32) {
    %c0_i32 = arith.constant 0 : i32
    %c0_i32_0 = arith.constant 0 : i32
    %c0_i32_1 = arith.constant 0 : i32
    return %c0_i32, %arg0, %c0_i32_0 : i32, i32, i32
  }
  func.func @transform_1(%arg0: i32) -> (i32, i32) {
    %c0_i32 = arith.constant 0 : i32
    %c0_i32_0 = arith.constant 0 : i32
    return %arg0, %c0_i32 : i32, i32
  }
  func.func @transform_2(%arg0: i32) -> (i32, i32) {
    %c0_i32 = arith.constant 0 : i32
    %c0_i32_0 = arith.constant 0 : i32
    return %arg0, %c0_i32 : i32, i32
  }
  func.func @transform_3(%arg0: i32) -> (i32, i32) {
    %c0_i32 = arith.constant 0 : i32
    %c0_i32_0 = arith.constant 0 : i32
    return %arg0, %c0_i32 : i32, i32
  }
}

</mosaic_0001>

<sc_bundles>
// kernel: kernel.10.cloned.1.call-start
scs
__scs_entry_jumppad:
0x0: {  	(pc) =	sbr.rel $0x88, $3  }
0x1: {  	(tag) =	ssettag $0x0;
	lr =	simm.s32 $0x1  }
0x2: {  	[smem:$0x3F99] =	sst lr;
	_ =	strace $0xD0000000  }
0x3: {  	_ = 	snop  }
0x4: {  	_ = 	snop  }
0x5: {  	_ = 	snop  }
0x6: {  	_ = 	snop  }
0x7: {  	_ = 	snop  }
__scs_overlays_trampoline_lowered:
0x8: {  	[smem:$0x3FA8] =	sst s0  }
0x9: {  	[smem:$0x3FA9] =	sst s1  }
0xa: {  	[smem:$0x3FAA] =	sst s2  }
0xb: {  	[smem:$0x3FAB] =	sst s3  }
0xc: {  	[smem:$0x3FAC] =	sst s4  }
0xd: {  	[smem:$0x3FAD] =	sst s5  }
0xe: {  	[smem:$0x3FAE] =	sst s6  }
0xf: {  	[smem:$0x3FAF] =	sst s7  }
0x10: {  	[smem:$0x3FB0] =	sst s8  }
0x11: {  	[smem:$0x3FB1] =	sst s9;
	s0 =	simm.s32 @!p0 $0x0  }
0x12: {  	s1 =	sld [smem:$0x3F97];
	s0 =	simm.s32 @p0 $0x1  }
0x13: {  	[smem:$0x3FB2] =	sst s0;
	s0 =	simm.s32 @!p1 $0x0  }
0x14: {  	s2 =	sld [smem:$0x3F96];
	s0 =	simm.s32 @p1 $0x1  }
0x15: {  	[smem:$0x3FB3] =	sst s0;
	s0 =	simm.s32 @!p2 $0x0  }
0x16: {  	s3 =	sld [smem:$0x3FDB];
	s0 =	simm.s32 @p2 $0x1  }
0x17: {  	s4 =	simm.s32 $0x1BF5;
	[smem:$0x3FB5] =	sst s0  }
0x18: {  	s0 =	sld [smem:$0x3F98];
	_ =	swait.ge [sflag:s4], $0x0  }
0x19: {  	s7 =	sld [smem:$0x3F99]  }
0x1a: {  	s8 =	sadd.s32 $0xFFFFE003, lr  }
0x1b: {  	s9 =	sadd.s32 $0xFFFFFEF7, lr;
	s5 =	simm.s32 $0xFFFFFFFF;
	p2 =	slt.u32 s8, $0xFFFFF086  }
0x1c: {  	p1 =	slt.u32 s9, $0xF7A;
	s5 =	simm.s32 @!p2 $0x0  }
0x1d: {  	s5 =	simm.s32 @p1 $0x1;
	p0 =	seq.s32 s7, s2  }
0x1e: {  	s7 =	smul.u32 @!p0 $0xF7A, s2;
	p2 =	seq.s32 @!p0 s5, $0x0  }
0x1f: {  	s9 =	smul.u32 $0xF7A, s1;
	s8 =	simm.s32 @!p0 $0x1BF5;
	p2 =	por !p2, p0  }
0x20: {  	[sflag:s8] =	ssyncset.s32 @!p0 $0xFFFFF086;
	s6 =	sadd.s32 @!p0 s3, s7;
	s7 =	simm.s32 @!p0 $0x108  }
0x21: {  	s3 =	sadd.s32 s3, s9;
	s6 =	sadd.s32 @!p0 $0x88, s6;
	s7 =	simm.s32 @p2 $0x1082  }
0x22: {  	[simem:s7], [sflag:s8] =	dma.local @!p0 [hbm:s6], $0xF7A  }
0x23: {  	s9 =	sor.u32 $0xD0000000, s2;
	s6 =	simm.s32 $0x108;
	_ =	swait.ge @!p0 [sflag:s8], $0x0  }
0x24: {  	s3 =	sadd.s32 $0x88, s3;
	s6 =	simm.s32 @!p1 $0x1082;
	[sflag:s4] =	ssyncset.s32 $0xFFFFF086  }
0x25: {  	[simem:s6], [sflag:s4] =	dma.local [hbm:s3], $0xF7A  }
0x26: {  	[smem:$0x3F99] =	sst s1;
	(tag) =	ssettag s2;
	_ =	strace s9  }
0x27: {  	s1 =	sld [smem:$0x3FA9]  }
0x28: {  	s2 =	sld [smem:$0x3FAA]  }
0x29: {  	s4 =	sld [smem:$0x3FAC]  }
0x2a: {  	p0 =	seq.s32 s5, $0x0;
	s5 =	sld [smem:$0x3FAD]  }
0x2b: {  	s6 =	sld [smem:$0x3FAE]  }
0x2c: {  	s7 =	sld [smem:$0x3FAF]  }
0x2d: {  	s3 =	simm.s32 $0x108;
	s8 =	sld [smem:$0x3FB0]  }
0x2e: {  	s3 =	simm.s32 @!p0 $0x1082;
	s9 =	sld [smem:$0x3FB1]  }
0x2f: {  	lr =	sadd.s32 s0, s3;
	s0 =	sld [smem:$0x3FA8]  }
0x30: {  	s3 =	sld [smem:$0x3FAB]  }
0x31: {  	[smem:$0x3FB4] =	sst s10  }
0x32: {  	s10 =	sld [smem:$0x3FB2];
	_ =	sdelay $0x3  }
0x33: {  	p0 =	seq.s32 s10, $0x1;
	s10 =	sld [smem:$0x3FB4];
	_ =	sdelay $0x3  }
0x34: {  	[smem:$0x3FB4] =	sst s10  }
0x35: {  	s10 =	sld [smem:$0x3FB3];
	_ =	sdelay $0x3  }
0x36: {  	p1 =	seq.s32 s10, $0x1;
	s10 =	sld [smem:$0x3FB4];
	_ =	sdelay $0x3  }
0x37: {  	[smem:$0x3FB4] =	sst s10  }
0x38: {  	s10 =	sld [smem:$0x3FB5]  }
0x39: {  	_ = 	snop;
	(pc) =	sbr.ind lr, $3  }
0x3a: {  	_ = 	snop  }
0x3b: {  	_ = 	snop  }
0x3c: {  	p2 =	seq.s32 s10, $0x1;
	s10 =	sld [smem:$0x3FB4]  }
0x3d: {  	_ =	shalt  }
0x3e: {  	_ =	shalt  }
0x3f: {  	_ =	shalt  }
0x40: {  	_ =	shalt  }
0x41: {  	_ =	shalt  }
0x42: {  	_ =	shalt  }
0x43: {  	_ =	shalt  }
0x44: {  	_ =	shalt  }
0x45: {  	_ =	shalt  }
0x46: {  	_ =	shalt  }
0x47: {  	_ =	shalt  }
0x48: {  	_ =	shalt  }
0x49: {  	_ =	shalt  }
0x4a: {  	_ =	shalt  }
0x4b: {  	_ =	shalt  }
0x4c: {  	_ =	shalt  }
0x4d: {  	_ =	shalt  }
0x4e: {  	_ =	shalt  }
0x4f: {  	_ =	shalt  }
0x50: {  	_ =	shalt  }
0x51: {  	_ =	shalt  }
0x52: {  	_ =	shalt  }
0x53: {  	_ =	shalt  }
0x54: {  	_ =	shalt  }
0x55: {  	_ =	shalt  }
0x56: {  	_ =	shalt  }
0x57: {  	_ =	shalt  }
0x58: {  	_ =	shalt  }
0x59: {  	_ =	shalt  }
0x5a: {  	_ =	shalt  }
0x5b: {  	_ =	shalt  }
0x5c: {  	_ =	shalt  }
0x5d: {  	_ =	shalt  }
0x5e: {  	_ =	shalt  }
0x5f: {  	_ =	shalt  }
0x60: {  	_ =	shalt  }
0x61: {  	_ =	shalt  }
0x62: {  	_ =	shalt  }
0x63: {  	_ =	shalt  }
0x64: {  	_ =	shalt  }
0x65: {  	_ =	shalt  }
0x66: {  	_ =	shalt  }
0x67: {  	_ =	shalt  }
0x68: {  	_ =	shalt  }
0x69: {  	_ =	shalt  }
0x6a: {  	_ =	shalt  }
0x6b: {  	_ =	shalt  }
0x6c: {  	_ =	shalt  }
0x6d: {  	_ =	shalt  }
0x6e: {  	_ =	shalt  }
0x6f: {  	_ =	shalt  }
0x70: {  	_ =	shalt  }
0x71: {  	_ =	shalt  }
0x72: {  	_ =	shalt  }
0x73: {  	_ =	shalt  }
0x74: {  	_ =	shalt  }
0x75: {  	_ =	shalt  }
0x76: {  	_ =	shalt  }
0x77: {  	_ =	shalt  }
0x78: {  	_ =	shalt  }
0x79: {  	_ =	shalt  }
0x7a: {  	_ =	shalt  }
0x7b: {  	_ =	shalt  }
0x7c: {  	_ =	shalt  }
0x7d: {  	_ =	shalt  }
0x7e: {  	_ =	shalt  }
0x7f: {  	_ =	shalt  }
0x80: {  	_ =	shalt  }
0x81: {  	_ =	shalt  }
0x82: {  	_ =	shalt  }
0x83: {  	_ =	shalt  }
0x84: {  	_ =	shalt  }
0x85: {  	_ =	shalt  }
0x86: {  	_ =	shalt  }
0x87: {  	_ =	shalt  }
.Lfunc_end0:
.L_simem_size_0:
called_computation.1_lowered:
.L_overlay_start_0:
0x88: {  	s2 =	sld [smem:$0x3FD9]  }
0x89: {  	s3 =	sld [smem:$0x3FFE];
	_ =	sdelay $0x1  }
0x8a: {  	s1 =	srdreg.scid  }
0x8b: {  	s0 =	sand.u32 $0x1, s1  }
0x8c: {  	s14 =	sshll.u32 s0, $0xA;
	s2 =	sadd.s32 s3, s2  }
0x8d: {  	s2 =	sadd.s32 s2, s14  }
0x8e: {  	[smem:$0x3FC0] =	sst s2  }
0x8f: {  	_ = 	snop  }
0x90: {  	s2 =	sld [smem:$0x3FD0];
	_ =	sdelay $0x2  }
0x91: {  	s15 =	simm.s32 $0xA;
	s4 =	simm.s32 $0x10  }
0x92: {  	[smem:s4], [sflag:s15] =	dma.local [hbm:s2], $0x1  }
0x93: {  	_ =	swait.eq [sflag:s15], $0x1  }
0x94: {  	[sflag:s15] =	ssyncset.done $0x0  }
0x95: {  	s16 =	sld [smem:$0x10];
	[sflag:s15] =	ssyncadd.s32 $0xFFFFFFFF  }
0x96: {  	s17 =	sld [smem:$0x11];
	(tm) =	ssettm $0x1  }
0x97: {  	s18 =	sld [smem:$0x3FFB];
	_ =	sdelay $0x3  }
0x98: {  	_ =	strace s18  }
0x99: {  	s4 =	sld [smem:$0x3FFC];
	_ =	sdelay $0x3  }
0x9a: {  	_ =	strace s4  }
0x9b: {  	s4 =	sld [smem:$0x3FFD];
	_ =	sdelay $0x3  }
0x9c: {  	_ =	strace s4  }
0x9d: {  	_ =	strace $0x8FFFFFFF  }
0x9e: {  	s19 =	sld [smem:$0x3FDB];
	_ =	sdelay $0x1  }
0x9f: {  	s5 =	simm.s32 $_scs_section_size  }
0xa0: {  	s6 =	simm.s32 $_size__tile_overlayer_lowered;
	s7 =	simm.s32 $_tile_overlayer_lowered  }
0xa1: {  	s22 =	simm.s32 $0x1BFF;
	s21 =	sshll.u32 s7, $0x1;
	s4 =	sadd.s32 s5, s19  }
0xa2: {  	s8 =	simm.s32 $0x0;
	s20 =	sshll.u32 s6, $0x1;
	s6 =	sadd.s32 s21, s4  }
0xa3: {  	[timem:s8], [sflag:s22] =	dma.local [hbm:s6], s20  }
0xa4: {  	_ =	swait.ge [sflag:s22], s20  }
0xa5: {  	s5 =	ssub.s32 $0x0, s20;
	[sflag:s22] =	ssyncset.done $0x0  }
0xa6: {  	[sflag:s22] =	ssyncadd.s32 s5;
	_ =	sdelay $0x1  }
0xa7: {  	s23 =	simm.s32 $0x1B8B  }
0xa8: {  	_ =	swait.ge [sflag:s23], $0x1  }
0xa9: {  	[sflag:s23] =	ssyncset.done $0x0  }
0xaa: {  	s25 =	simm.s32 $0x1B8E;
	s24 =	sld [smem:$0x3FFE];
	[sflag:s23] =	ssyncadd.s32 $0xFFFFFFFF  }
0xab: {  	s26 =	simm.s32 $execute0_lowered;
	[smem:$0x3FD2] =	sst s25  }
0xac: {  	s6 =	sshll.u32 s26, $0x1;
	_ =	strace $0x80000049;
	[dreg:$0x1] =	wrdreg $0xFFFFFFFF  }
0xad: {  	s28 =	simm.s32 $_size_execute0_lowered;
	s4 =	sadd.s32 s4, s6;
	[dreg:$0x0] =	wrdreg $0x0  }
0xae: {  	s6 =	sshll.u32 s28, $0x1;
	[dreg:$0x2] =	wrdreg s4  }
0xaf: {  	[dreg:$0x3] =	wrdreg s6  }
0xb0: {  	[dreg:$0x4] =	wrdreg $0xC0  }
0xb1: {  	_ =	task [dreg:s8], $0x5FFFF  }
0xb2: {  	[dreg:$0x1] =	wrdreg $0xFFFFFFFF  }
0xb3: {  	[dreg:$0x0] =	wrdreg $0x60  }
0xb4: {  	[dreg:$0x2] =	wrdreg s17  }
0xb5: {  	[dreg:$0x3] =	wrdreg s16  }
0xb6: {  	[dreg:$0x4] =	wrdreg s24  }
0xb7: {  	[dreg:$0x5] =	wrdreg $0x8E000  }
0xb8: {  	[dreg:$0x6] =	wrdreg $0x9  }
0xb9: {  	_ =	task.clear_ibuf [dreg:s8], $0x7FFFF;
	_ =	strace $0x90000049  }
0xba: {  	s29 =	simm.s32 $0x9;
	_ =	strace $0x8000004B  }
0xbb: {  	_ =	swait.ge [sflag:s29], $0x1  }
0xbc: {  	[sflag:s29] =	ssyncadd.s32 $0xFFFFFFFF  }
0xbd: {  	_ =	strace $0x9000004B  }
0xbe: {  	_ =	sfence  }
0xbf: {  	s30 =	sld [smem:$0x0];
	_ =	sdelay $0x2  }
0xc0: {  	s31 =	sshll.u32 s1, $0xD;
	s1 =	sshrl.u32 s1, $0x2  }
0xc1: {  	s3 =	sand.u32 $0x4000, s31;
	s1 =	sadd.s32 s1, s30  }
0xc2: {  	s0 =	sor.u32 s3, s0;
	s1 =	sshll.u32 s1, $0x11  }
0xc3: {  	s0 =	sor.u32 s1, s0  }
0xc4: {  	s0 =	sadd.s32 $0x8F2B, s0  }
0xc5: {  	[sflag:s0] =	ssyncadd.remote.s32 $0x1  }
0xc6: {  	_ =	sfence.sel $0xFFFF  }
0xc7: {  	[dreg:$0x0] =	wrdreg $0xFFFFFFFF;
	(pc) =	sbr.abs _section_cstart, $3  }
0xc8: {  	[dreg:$0x1] =	wrdreg $0xFFFFFFFF  }
0xc9: {  	_ =	task.clear_ibuf [dreg:s8], $0x2FFFF;
	_ =	strace $0x9FFFFFFF  }
0xca: {  	(tm) =	ssettm $0x7FFFFFFF  }
0xcb: {  	_ =	shalt  }
tec
execute0_lowered:
.L_overlay_start_1:
0x0: {  	(tag) =	ssettag $0x1  }
0x1: {  	s1 =	rddreg [dreg:$0x0]  }
0x2: {  	s12 =	rddreg [dreg:$0x1];
	s2 =	srdreg.scid  }
0x3: {  	s0 =	stileid.u32;
	s5 =	rddreg [dreg:$0x2]  }
0x4: {  	s3 =	rddreg [dreg:$0x3];
	s6 =	smul.u32 $0x6400, s0  }
0x5: {  	s4 =	simm.s32 $0x0;
	s18 =	simm.s32 $0x100;
	s8 =	smul.u32 $0x19000, s0  }
0x6: {  	s16 =	sand.u32 $0x1, s2;
	s2 =	rddreg [dreg:$0x4];
	s9 =	smul.u32 $0x4F00, s0  }
0x7: {  	s19 =	simm.s32 $0x1;
	[smem:$0x7FF] =	sst s4;
	s17 =	smul.u32 $0x9E0, s0  }
0x8: {  	s13 =	sadd.s32 $0x2C000, s5;
	s7 =	smul.u32 $0x64000, s16;
	_ =	strace $0x8000004A  }
0x9: {  	s30 =	ssub.s32 $0x2, s16;
	p0 =	sne.s32 s16, $0x0;
	s16 =	simm.s32 $0x6600  }
0xa: {  	s31 =	sshrl.u32 s30, $0x1;
	s8 =	sshrl.u32 s8, $0x2;
	s9 =	sshrl.u32 s9, $0x3  }
0xb: {  	s7 =	sadd.s32 s6, s7;
	s15 =	ssub.s32 s30, s31;
	s10 =	sadd.s32 s8, s3  }
0xc: {  	s11 =	sadd.s32 $0x660, s9;
	s7 =	sshrl.u32 s7, $0x3;
	s8 =	sadd.s32 $0x3C00, s10  }
0xd: {  	s9 =	sadd.s32 $0x5000, s10;
	s15 =	smax.u32 s15, $0x1;
	s14 =	sadd.s32 s7, s5  }
0xe: {  	s5 =	sadd.s32 s6, s3;
	s6 =	sadd.s32 $0x1400, s10;
	s7 =	sadd.s32 $0x2800, s10  }
0xf: {  	s10 =	sadd.s32 s12, s11;
	s11 =	sadd.s32 s13, s11;
	s12 =	sadd.s32 s12, s17  }
0x10: {  	v0 =	vimm.f32 $0.0e+00;
	s13 =	sadd.s32 s13, s17;
	s17 =	simm.s32 $0x2;
	s14 =	sadd.s32 $0x1800, s14  }
.LBB2_1:
0x11: {  	s21 =	simm.s32 $0x0  }
0x12: {  	s20 =	simm.s32 $0xA0;
	[tilespmem:s21+$0x6610] =	vst v0  }
.LBB2_2:
0x13: {  	p1 =	sne.s32 s20, $0x4F60;
	[tilespmem:s21+$0x6618] =	vst v0;
	s22 =	smov.u32 s20;
	s20 =	sadd.s32 $0xA0, s20  }
.Ltmp0:
0x14: {  	[tilespmem:s21+$0x6600] =	vst v0;
	(pc) =	sbr.rel @p1 .LBB2_2-.Ltmp0, $3  }
0x15: {  	_ =	sdelay $0x1  }
0x16: {  	s21 =	sshra.s32 s22, $0x2  }
0x17: {  	[tilespmem:s21+$0x6610] =	vst v0  }
0x18: {  	[tilespmem:s21+$0x6618] =	vst v0  }
0x19: {  	[tilespmem:s21+$0x6600] =	vst v0  }
0x1a: {  	[spmem:s5] =	stream.linear.scatter [tilespmem:s16], [sflag:$0x2], $0x1400, $0x38;
	[tilespmem:$0xF200] =	vst v63  }
0x1b: {  	_ =	swait.ge [sflag:s17], $0x1400  }
0x1c: {  	[sflag:s17] =	ssyncset.done $0x0  }
0x1d: {  	[sflag:s17] =	ssyncadd.s32 $0xFFFFEC00  }
0x1e: {  	[spmem:s6] =	stream.linear.scatter [tilespmem:s16], [sflag:$0x2], $0x1400, $0x38;
	[tilespmem:$0xF200] =	vst v63  }
0x1f: {  	_ =	swait.ge [sflag:s17], $0x1400  }
0x20: {  	[sflag:s17] =	ssyncset.done $0x0  }
0x21: {  	[sflag:s17] =	ssyncadd.s32 $0xFFFFEC00  }
0x22: {  	[spmem:s7] =	stream.linear.scatter [tilespmem:s16], [sflag:$0x2], $0x1400, $0x38;
	[tilespmem:$0xF200] =	vst v63  }
0x23: {  	_ =	swait.ge [sflag:s17], $0x1400  }
0x24: {  	[sflag:s17] =	ssyncset.done $0x0  }
0x25: {  	[sflag:s17] =	ssyncadd.s32 $0xFFFFEC00  }
0x26: {  	[spmem:s8] =	stream.linear.scatter [tilespmem:s16], [sflag:$0x2], $0x1400, $0x38;
	[tilespmem:$0xF200] =	vst v63  }
0x27: {  	_ =	swait.ge [sflag:s17], $0x1400  }
0x28: {  	[sflag:s17] =	ssyncset.done $0x0  }
0x29: {  	[sflag:s17] =	ssyncadd.s32 $0xFFFFEC00  }
0x2a: {  	[spmem:s9] =	stream.linear.scatter [tilespmem:s16], [sflag:$0x2], $0x1400, $0x38;
	[tilespmem:$0xF200] =	vst v63  }
0x2b: {  	_ =	swait.ge [sflag:s17], $0x1400  }
0x2c: {  	[sflag:s17] =	ssyncset.done $0x0  }
0x2d: {  	s20 =	simm.s32 @p0 $0x0;
	s21 =	simm.s32 @p0 $0x2;
	[sflag:s17] =	ssyncadd.s32 $0xFFFFEC00  }
0x2e: {  	[tilespmem:s20], [sflag:$0x2] =	stream.linear.gather @p0 [hbm4b:s10+s20], $0x1C00, $0x38;
	[tilespmem:$0xF200] =	vst v63  }
0x2f: {  	_ =	swait.ge @p0 [sflag:s21], $0x1C00  }
0x30: {  	[sflag:s21] =	ssyncset.done @p0 $0x0  }
0x31: {  	s22 =	simm.s32 @p0 $0x3300;
	[sflag:s21] =	ssyncadd.s32 @p0 $0xFFFFE400  }
0x32: {  	[tilespmem:s22], [sflag:$0x2] =	stream.linear.gather @p0 [hbm4b:s11+s20], $0x1C00, $0x38;
	[tilespmem:$0xF200] =	vst v63  }
0x33: {  	_ =	swait.ge @p0 [sflag:s21], $0x1C00  }
0x34: {  	[sflag:s21] =	ssyncset.done @p0 $0x0  }
0x35: {  	s20 =	simm.s32 @!p0 $0x0;
	[sflag:s21] =	ssyncadd.s32 @p0 $0xFFFFE400;
	s21 =	simm.s32 @!p0 $0x2  }
0x36: {  	[tilespmem:s20], [sflag:$0x2] =	stream.linear.gather @!p0 [hbm4b:s12+s20], $0x3300, $0x38;
	[tilespmem:$0xF200] =	vst v63  }
0x37: {  	_ =	swait.ge @!p0 [sflag:s21], $0x3300  }
0x38: {  	[sflag:s21] =	ssyncset.done @!p0 $0x0  }
0x39: {  	s22 =	simm.s32 @!p0 $0x3300;
	[sflag:s21] =	ssyncadd.s32 @!p0 $0xFFFFCD00  }
0x3a: {  	[tilespmem:s22], [sflag:$0x2] =	stream.linear.gather @!p0 [hbm4b:s13+s20], $0x3300, $0x38;
	[tilespmem:$0xF200] =	vst v63  }
0x3b: {  	_ =	swait.ge @!p0 [sflag:s21], $0x3300  }
0x3c: {  	[sflag:s21] =	ssyncset.done @!p0 $0x0  }
0x3d: {  	s22 =	simm.s32 @!p0 $0x33;
	[sflag:s21] =	ssyncadd.s32 @!p0 $0xFFFFCD00  }
0x3e: {  	s20 =	simm.s32 $0x0;
	s22 =	simm.s32 @p0 $0x1C;
	[bflag:$0x0] =	sbarrier.arrive $0xFFFF  }
0x3f: {  	[tilespmem:s16], [sflag:$0x1] =	stream.indirect.gather [hbm4b:s1+s18], $0x28, s20, s18, $0xb8;
	[tilespmem:$0xF200] =	vst v63  }
0x40: {  	p1 =	sne.s32 s22, $0x1;
	_ =	swait.ge [sflag:s19], $0x2800  }
.Ltmp1:
0x41: {  	[sflag:s19] =	ssyncset.done $0x0;
	(pc) =	sbr.rel @!p1 .LBB2_5-.Ltmp1, $4  }
0x42: {  	s21 =	simm.s32 $0x3300;
	[sflag:s19] =	ssyncadd.s32 $0xFFFFD800  }
0x43: {  	[spmem:s3] =	stream.indirect.scatter.add.f32 [tilespmem:s16], [sflag:$0x2], $0x28, s21, s18, $0xb8;
	[tilespmem:$0xF200] =	vst v63  }
0x44: {  	_ =	swait.ge [sflag:s17], $0x2800  }
0x45: {  	s22 =	sadd.s32 $0xFFFFFFFF, s22;
	[sflag:s17] =	ssyncset.done $0x0  }
.LBB2_4:
0x46: {  	[sflag:s17] =	ssyncadd.s32 $0xFFFFD800;
	s20 =	sadd.s32 $0x100, s20;
	s21 =	sadd.s32 $0x100, s21  }
0x47: {  	[tilespmem:s16], [sflag:$0x1] =	stream.indirect.gather [hbm4b:s1+s18], $0x28, s20, s18, $0xb8;
	[tilespmem:$0xF200] =	vst v63  }
0x48: {  	p1 =	sne.s32 s22, $0x1;
	s22 =	sadd.s32 $0xFFFFFFFF, s22;
	_ =	swait.ge [sflag:s19], $0x2800  }
.Ltmp2:
0x49: {  	[sflag:s19] =	ssyncset.done $0x0;
	(pc) =	sbr.rel @p1 .LBB2_4-.Ltmp2, $4  }
0x4a: {  	[sflag:s19] =	ssyncadd.s32 $0xFFFFD800  }
0x4b: {  	[spmem:s3] =	stream.indirect.scatter.add.f32 [tilespmem:s16], [sflag:$0x2], $0x28, s21, s18, $0xb8;
	[tilespmem:$0xF200] =	vst v63  }
0x4c: {  	_ =	swait.ge [sflag:s17], $0x2800  }
0x4d: {  	[sflag:s17] =	ssyncset.done $0x0  }
.LBB2_5:
0x4e: {  	[sflag:s17] =	ssyncadd.s32 $0xFFFFD800;
	s4 =	sadd.s32 $0x1, s4  }
0x4f: {  	s20 =	sshll.u32 s0, $0x6;
	s21 =	sshrl.u32 s5, $0x3;
	p1 =	sne.s32 s4, s15  }
.Ltmp3:
0x50: {  	[bflag:$0x0] =	sbarrier.arrive $0xFFFF;
	s20 =	sor.u32 $0x1C02, s20;
	(pc) =	sbr.rel @p1 .LBB2_1-.Ltmp3, $4  }
0x51: {  	[hbm:s14], [sflag:s20] =	dma.local [spmem:s21], $0xC80  }
0x52: {  	_ =	swait.ge [sflag:s17], $0xC80  }
0x53: {  	[sflag:s17] =	ssyncset.done $0x0  }
0x54: {  	[sflag:s17] =	ssyncadd.s32 $0xFFFFF380  }
0x55: {  	_ =	sfence.sel $0x180000  }
0x56: {  	[bflag:$0x0] =	sbarrier.arrive $0xFFFF  }
0x57: {  	p0 =	sne.s32 s0, $0x0;
	_ =	strace $0x9000004A  }
0x58: {  	s0 =	sadd.s32 @!p0 $0x100000, s2;
	[bflag:$0x2] =	sbarrier.arrive $0xFFFF  }
0x59: {  	[sflag:s0] =	ssyncadd.tile.s32 @!p0 $0x1;
	_ =	shalt  }
.Lfunc_end2:
_tile_overlayer_lowered:
.L_overlay_start_2:
0x5a: {  	(tag) =	ssettag $0x2  }
0x5b: {  	s0 =	rddreg [dreg:$0x0];
	s2 =	stileid.u32  }
0x5c: {  	s1 =	rddreg [dreg:$0x1];
	p0 =	sne.s32 s2, $0x0  }
0x5d: {  	s3 =	rddreg [dreg:$0x2];
	[bflag:$0x3] =	sbarrier.arrive $0xFFFF;
	s2 =	simm.s32 @!p0 $0x1C02  }
0x5e: {  	[timem:s3], [sflag:s2] =	dma.local @!p0 [hbm:s0], s1  }
0x5f: {  	s0 =	simm.s32 @!p0 $0x2  }
0x60: {  	_ =	swait.ge @!p0 [sflag:s0], s1  }
0x61: {  	s1 =	ssub.s32 @!p0 $0x0, s1;
	[sflag:s0] =	ssyncset.done @!p0 $0x0  }
0x62: {  	[sflag:s0] =	ssyncadd.s32 @!p0 s1  }
0x63: {  	[bflag:$0x3] =	sbarrier.arrive $0xFFFF  }
0x64: {  	_ =	shalt  }

// kernel: kernel.7.cloned.1.call-start
scs
__scs_entry_jumppad:
0x0: {  	(pc) =	sbr.rel $0x88, $3  }
0x1: {  	(tag) =	ssettag $0x0;
	lr =	simm.s32 $0x1  }
0x2: {  	[smem:$0x3F99] =	sst lr;
	_ =	strace $0xD0000000  }
0x3: {  	_ = 	snop  }
0x4: {  	_ = 	snop  }
0x5: {  	_ = 	snop  }
0x6: {  	_ = 	snop  }
0x7: {  	_ = 	snop  }
__scs_overlays_trampoline_lowered:
0x8: {  	[smem:$0x3FA8] =	sst s0  }
0x9: {  	[smem:$0x3FA9] =	sst s1  }
0xa: {  	[smem:$0x3FAA] =	sst s2  }
0xb: {  	[smem:$0x3FAB] =	sst s3  }
0xc: {  	[smem:$0x3FAC] =	sst s4  }
0xd: {  	[smem:$0x3FAD] =	sst s5  }
0xe: {  	[smem:$0x3FAE] =	sst s6  }
0xf: {  	[smem:$0x3FAF] =	sst s7  }
0x10: {  	[smem:$0x3FB0] =	sst s8  }
0x11: {  	[smem:$0x3FB1] =	sst s9;
	s0 =	simm.s32 @!p0 $0x0  }
0x12: {  	s1 =	sld [smem:$0x3F97];
	s0 =	simm.s32 @p0 $0x1  }
0x13: {  	[smem:$0x3FB2] =	sst s0;
	s0 =	simm.s32 @!p1 $0x0  }
0x14: {  	s2 =	sld [smem:$0x3F96];
	s0 =	simm.s32 @p1 $0x1  }
0x15: {  	[smem:$0x3FB3] =	sst s0;
	s0 =	simm.s32 @!p2 $0x0  }
0x16: {  	s3 =	sld [smem:$0x3FDB];
	s0 =	simm.s32 @p2 $0x1  }
0x17: {  	s4 =	simm.s32 $0x1BF5;
	[smem:$0x3FB5] =	sst s0  }
0x18: {  	s0 =	sld [smem:$0x3F98];
	_ =	swait.ge [sflag:s4], $0x0  }
0x19: {  	s7 =	sld [smem:$0x3F99]  }
0x1a: {  	s8 =	sadd.s32 $0xFFFFE003, lr  }
0x1b: {  	s9 =	sadd.s32 $0xFFFFFEF7, lr;
	s5 =	simm.s32 $0xFFFFFFFF;
	p2 =	slt.u32 s8, $0xFFFFF086  }
0x1c: {  	p1 =	slt.u32 s9, $0xF7A;
	s5 =	simm.s32 @!p2 $0x0  }
0x1d: {  	s5 =	simm.s32 @p1 $0x1;
	p0 =	seq.s32 s7, s2  }
0x1e: {  	s7 =	smul.u32 @!p0 $0xF7A, s2;
	p2 =	seq.s32 @!p0 s5, $0x0  }
0x1f: {  	s9 =	smul.u32 $0xF7A, s1;
	s8 =	simm.s32 @!p0 $0x1BF5;
	p2 =	por !p2, p0  }
0x20: {  	[sflag:s8] =	ssyncset.s32 @!p0 $0xFFFFF086;
	s6 =	sadd.s32 @!p0 s3, s7;
	s7 =	simm.s32 @!p0 $0x108  }
0x21: {  	s3 =	sadd.s32 s3, s9;
	s6 =	sadd.s32 @!p0 $0x88, s6;
	s7 =	simm.s32 @p2 $0x1082  }
0x22: {  	[simem:s7], [sflag:s8] =	dma.local @!p0 [hbm:s6], $0xF7A  }
0x23: {  	s9 =	sor.u32 $0xD0000000, s2;
	s6 =	simm.s32 $0x108;
	_ =	swait.ge @!p0 [sflag:s8], $0x0  }
0x24: {  	s3 =	sadd.s32 $0x88, s3;
	s6 =	simm.s32 @!p1 $0x1082;
	[sflag:s4] =	ssyncset.s32 $0xFFFFF086  }
0x25: {  	[simem:s6], [sflag:s4] =	dma.local [hbm:s3], $0xF7A  }
0x26: {  	[smem:$0x3F99] =	sst s1;
	(tag) =	ssettag s2;
	_ =	strace s9  }
0x27: {  	s1 =	sld [smem:$0x3FA9]  }
0x28: {  	s2 =	sld [smem:$0x3FAA]  }
0x29: {  	s4 =	sld [smem:$0x3FAC]  }
0x2a: {  	p0 =	seq.s32 s5, $0x0;
	s5 =	sld [smem:$0x3FAD]  }
0x2b: {  	s6 =	sld [smem:$0x3FAE]  }
0x2c: {  	s7 =	sld [smem:$0x3FAF]  }
0x2d: {  	s3 =	simm.s32 $0x108;
	s8 =	sld [smem:$0x3FB0]  }
0x2e: {  	s3 =	simm.s32 @!p0 $0x1082;
	s9 =	sld [smem:$0x3FB1]  }
0x2f: {  	lr =	sadd.s32 s0, s3;
	s0 =	sld [smem:$0x3FA8]  }
0x30: {  	s3 =	sld [smem:$0x3FAB]  }
0x31: {  	[smem:$0x3FB4] =	sst s10  }
0x32: {  	s10 =	sld [smem:$0x3FB2];
	_ =	sdelay $0x3  }
0x33: {  	p0 =	seq.s32 s10, $0x1;
	s10 =	sld [smem:$0x3FB4];
	_ =	sdelay $0x3  }
0x34: {  	[smem:$0x3FB4] =	sst s10  }
0x35: {  	s10 =	sld [smem:$0x3FB3];
	_ =	sdelay $0x3  }
0x36: {  	p1 =	seq.s32 s10, $0x1;
	s10 =	sld [smem:$0x3FB4];
	_ =	sdelay $0x3  }
0x37: {  	[smem:$0x3FB4] =	sst s10  }
0x38: {  	s10 =	sld [smem:$0x3FB5]  }
0x39: {  	_ = 	snop;
	(pc) =	sbr.ind lr, $3  }
0x3a: {  	_ = 	snop  }
0x3b: {  	_ = 	snop  }
0x3c: {  	p2 =	seq.s32 s10, $0x1;
	s10 =	sld [smem:$0x3FB4]  }
0x3d: {  	_ =	shalt  }
0x3e: {  	_ =	shalt  }
0x3f: {  	_ =	shalt  }
0x40: {  	_ =	shalt  }
0x41: {  	_ =	shalt  }
0x42: {  	_ =	shalt  }
0x43: {  	_ =	shalt  }
0x44: {  	_ =	shalt  }
0x45: {  	_ =	shalt  }
0x46: {  	_ =	shalt  }
0x47: {  	_ =	shalt  }
0x48: {  	_ =	shalt  }
0x49: {  	_ =	shalt  }
0x4a: {  	_ =	shalt  }
0x4b: {  	_ =	shalt  }
0x4c: {  	_ =	shalt  }
0x4d: {  	_ =	shalt  }
0x4e: {  	_ =	shalt  }
0x4f: {  	_ =	shalt  }
0x50: {  	_ =	shalt  }
0x51: {  	_ =	shalt  }
0x52: {  	_ =	shalt  }
0x53: {  	_ =	shalt  }
0x54: {  	_ =	shalt  }
0x55: {  	_ =	shalt  }
0x56: {  	_ =	shalt  }
0x57: {  	_ =	shalt  }
0x58: {  	_ =	shalt  }
0x59: {  	_ =	shalt  }
0x5a: {  	_ =	shalt  }
0x5b: {  	_ =	shalt  }
0x5c: {  	_ =	shalt  }
0x5d: {  	_ =	shalt  }
0x5e: {  	_ =	shalt  }
0x5f: {  	_ =	shalt  }
0x60: {  	_ =	shalt  }
0x61: {  	_ =	shalt  }
0x62: {  	_ =	shalt  }
0x63: {  	_ =	shalt  }
0x64: {  	_ =	shalt  }
0x65: {  	_ =	shalt  }
0x66: {  	_ =	shalt  }
0x67: {  	_ =	shalt  }
0x68: {  	_ =	shalt  }
0x69: {  	_ =	shalt  }
0x6a: {  	_ =	shalt  }
0x6b: {  	_ =	shalt  }
0x6c: {  	_ =	shalt  }
0x6d: {  	_ =	shalt  }
0x6e: {  	_ =	shalt  }
0x6f: {  	_ =	shalt  }
0x70: {  	_ =	shalt  }
0x71: {  	_ =	shalt  }
0x72: {  	_ =	shalt  }
0x73: {  	_ =	shalt  }
0x74: {  	_ =	shalt  }
0x75: {  	_ =	shalt  }
0x76: {  	_ =	shalt  }
0x77: {  	_ =	shalt  }
0x78: {  	_ =	shalt  }
0x79: {  	_ =	shalt  }
0x7a: {  	_ =	shalt  }
0x7b: {  	_ =	shalt  }
0x7c: {  	_ =	shalt  }
0x7d: {  	_ =	shalt  }
0x7e: {  	_ =	shalt  }
0x7f: {  	_ =	shalt  }
0x80: {  	_ =	shalt  }
0x81: {  	_ =	shalt  }
0x82: {  	_ =	shalt  }
0x83: {  	_ =	shalt  }
0x84: {  	_ =	shalt  }
0x85: {  	_ =	shalt  }
0x86: {  	_ =	shalt  }
0x87: {  	_ =	shalt  }
.Lfunc_end0:
.L_simem_size_0:
called_computation_lowered:
.L_overlay_start_0:
0x88: {  	s2 =	sld [smem:$0x3FD9]  }
0x89: {  	s3 =	sld [smem:$0x3FFE];
	_ =	sdelay $0x1  }
0x8a: {  	s1 =	srdreg.scid  }
0x8b: {  	s0 =	sand.u32 $0x1, s1  }
0x8c: {  	s14 =	sshll.u32 s0, $0xA;
	s2 =	sadd.s32 s3, s2  }
0x8d: {  	s2 =	sadd.s32 s2, s14  }
0x8e: {  	[smem:$0x3FC0] =	sst s2  }
0x8f: {  	_ = 	snop  }
0x90: {  	s2 =	sld [smem:$0x3FD0];
	_ =	sdelay $0x2  }
0x91: {  	s15 =	simm.s32 $0xA;
	s4 =	simm.s32 $0x10  }
0x92: {  	[smem:s4], [sflag:s15] =	dma.local [hbm:s2], $0x1  }
0x93: {  	_ =	swait.eq [sflag:s15], $0x1  }
0x94: {  	[sflag:s15] =	ssyncset.done $0x0  }
0x95: {  	s16 =	sld [smem:$0x10];
	[sflag:s15] =	ssyncadd.s32 $0xFFFFFFFF  }
0x96: {  	s17 =	sld [smem:$0x11];
	(tm) =	ssettm $0x1  }
0x97: {  	s18 =	sld [smem:$0x3FFB];
	_ =	sdelay $0x3  }
0x98: {  	_ =	strace s18  }
0x99: {  	s4 =	sld [smem:$0x3FFC];
	_ =	sdelay $0x3  }
0x9a: {  	_ =	strace s4  }
0x9b: {  	s4 =	sld [smem:$0x3FFD];
	_ =	sdelay $0x3  }
0x9c: {  	_ =	strace s4  }
0x9d: {  	_ =	strace $0x8FFFFFFF  }
0x9e: {  	s19 =	sld [smem:$0x3FDB];
	_ =	sdelay $0x1  }
0x9f: {  	s5 =	simm.s32 $_scs_section_size  }
0xa0: {  	s6 =	simm.s32 $_size__tile_overlayer_lowered;
	s7 =	simm.s32 $_tile_overlayer_lowered  }
0xa1: {  	s22 =	simm.s32 $0x1BFF;
	s21 =	sshll.u32 s7, $0x1;
	s4 =	sadd.s32 s5, s19  }
0xa2: {  	s8 =	simm.s32 $0x0;
	s20 =	sshll.u32 s6, $0x1;
	s6 =	sadd.s32 s21, s4  }
0xa3: {  	[timem:s8], [sflag:s22] =	dma.local [hbm:s6], s20  }
0xa4: {  	_ =	swait.ge [sflag:s22], s20  }
0xa5: {  	s5 =	ssub.s32 $0x0, s20;
	[sflag:s22] =	ssyncset.done $0x0  }
0xa6: {  	[sflag:s22] =	ssyncadd.s32 s5;
	_ =	sdelay $0x1  }
0xa7: {  	s23 =	simm.s32 $0x1B8B  }
0xa8: {  	_ =	swait.ge [sflag:s23], $0x1  }
0xa9: {  	[sflag:s23] =	ssyncset.done $0x0  }
0xaa: {  	s25 =	simm.s32 $0x1B8E;
	s24 =	sld [smem:$0x3FFE];
	[sflag:s23] =	ssyncadd.s32 $0xFFFFFFFF  }
0xab: {  	s26 =	simm.s32 $execute0_lowered;
	[smem:$0x3FD2] =	sst s25  }
0xac: {  	s6 =	sshll.u32 s26, $0x1;
	_ =	strace $0x80000046;
	[dreg:$0x1] =	wrdreg $0xFFFFFFFF  }
0xad: {  	s28 =	simm.s32 $_size_execute0_lowered;
	s4 =	sadd.s32 s4, s6;
	[dreg:$0x0] =	wrdreg $0x0  }
0xae: {  	s6 =	sshll.u32 s28, $0x1;
	[dreg:$0x2] =	wrdreg s4  }
0xaf: {  	[dreg:$0x3] =	wrdreg s6  }
0xb0: {  	[dreg:$0x4] =	wrdreg $0xC0  }
0xb1: {  	_ =	task [dreg:s8], $0x5FFFF  }
0xb2: {  	[dreg:$0x1] =	wrdreg $0xFFFFFFFF  }
0xb3: {  	[dreg:$0x0] =	wrdreg $0x60  }
0xb4: {  	[dreg:$0x2] =	wrdreg s24  }
0xb5: {  	[dreg:$0x3] =	wrdreg s16  }
0xb6: {  	[dreg:$0x4] =	wrdreg s17  }
0xb7: {  	[dreg:$0x5] =	wrdreg $0xAB000  }
0xb8: {  	[dreg:$0x6] =	wrdreg $0x9  }
0xb9: {  	_ =	task.clear_ibuf [dreg:s8], $0x7FFFF;
	_ =	strace $0x90000046  }
0xba: {  	s29 =	simm.s32 $0x9;
	_ =	strace $0x80000048  }
0xbb: {  	_ =	swait.ge [sflag:s29], $0x1  }
0xbc: {  	[sflag:s29] =	ssyncadd.s32 $0xFFFFFFFF  }
0xbd: {  	_ =	strace $0x90000048  }
0xbe: {  	_ =	sfence  }
0xbf: {  	s30 =	sld [smem:$0x0];
	_ =	sdelay $0x2  }
0xc0: {  	s31 =	sshll.u32 s1, $0xD;
	s1 =	sshrl.u32 s1, $0x2  }
0xc1: {  	s3 =	sand.u32 $0x4000, s31;
	s1 =	sadd.s32 s1, s30  }
0xc2: {  	s0 =	sor.u32 s3, s0;
	s1 =	sshll.u32 s1, $0x11  }
0xc3: {  	s0 =	sor.u32 s1, s0  }
0xc4: {  	s0 =	sadd.s32 $0x8F2B, s0  }
0xc5: {  	[sflag:s0] =	ssyncadd.remote.s32 $0x1  }
0xc6: {  	_ =	sfence.sel $0xFFFF  }
0xc7: {  	[dreg:$0x0] =	wrdreg $0xFFFFFFFF;
	(pc) =	sbr.abs _section_cstart, $3  }
0xc8: {  	[dreg:$0x1] =	wrdreg $0xFFFFFFFF  }
0xc9: {  	_ =	task.clear_ibuf [dreg:s8], $0x2FFFF;
	_ =	strace $0x9FFFFFFF  }
0xca: {  	(tm) =	ssettm $0x7FFFFFFF  }
0xcb: {  	_ =	shalt  }
tec
execute0_lowered:
.L_overlay_start_1:
0x0: {  	(tag) =	ssettag $0x1  }
0x1: {  	s5 =	rddreg [dreg:$0x0]  }
0x2: {  	s12 =	rddreg [dreg:$0x1]  }
0x3: {  	s15 =	rddreg [dreg:$0x2];
	s2 =	srdreg.scid  }
0x4: {  	s1 =	rddreg [dreg:$0x3];
	s17 =	sand.u32 $0x1, s2  }
0x5: {  	s2 =	stileid.u32;
	s6 =	smul.u32 $0x140000, s17  }
0x6: {  	s0 =	rddreg [dreg:$0x4];
	s7 =	smul.u32 $0x14000, s2  }
0x7: {  	s3 =	simm.s32 $0x0;
	s21 =	simm.s32 $0x10;
	s29 =	smul.u32 $0x55000, s2  }
0x8: {  	s22 =	simm.s32 $0x11;
	[smem:$0x7FF] =	sst s3;
	s9 =	smul.u32 $0x4F00, s2  }
0x9: {  	s4 =	sadd.s32 $0x1800, s5;
	s13 =	sadd.s32 $0x2C000, s5;
	s18 =	smul.u32 $0x14000, s17  }
0xa: {  	_ =	strace $0x80000047;
	s8 =	ssub.s32 $0x2, s17;
	s19 =	smul.u32 $0x1400, s2  }
0xb: {  	s20 =	smul.u32 $0x9E0, s2;
	p0 =	sne.s32 s17, $0x0;
	s17 =	simm.s32 $0x6700  }
0xc: {  	s30 =	sshrl.u32 s8, $0x1;
	s6 =	sadd.s32 s7, s6;
	s31 =	sshrl.u32 s29, $0x2  }
0xd: {  	s16 =	ssub.s32 s8, s30;
	s10 =	sshrl.u32 s9, $0x3;
	s18 =	sadd.s32 s19, s18  }
0xe: {  	s19 =	simm.s32 $0x80;
	s6 =	sshrl.u32 s6, $0x3;
	s11 =	sadd.s32 $0x670, s10  }
0xf: {  	s18 =	sshrl.u32 s18, $0x3;
	s16 =	smax.u32 s16, $0x1;
	s14 =	sadd.s32 s6, s5  }
0x10: {  	s5 =	sadd.s32 s31, s1;
	s10 =	sadd.s32 s12, s11;
	s11 =	sadd.s32 s13, s11  }
0x11: {  	s12 =	sadd.s32 s12, s20;
	s13 =	sadd.s32 s13, s20;
	s15 =	sadd.s32 s15, s18  }
0x12: {  	s18 =	simm.s32 $0x2;
	s20 =	simm.s32 $0x1;
	s6 =	sadd.s32 $0x4400, s5  }
0x13: {  	s7 =	sadd.s32 $0x8800, s5;
	s8 =	sadd.s32 $0xCC00, s5;
	s23 =	sadd.s32 $0x80, s5  }
0x14: {  	v0 =	vimm.f32 $0.0e+00;
	s9 =	sadd.s32 $0x11000, s5;
	s14 =	sadd.s32 $0x35E00, s14;
	s23 =	sshrl.u32 s23, $0x3  }
.LBB2_1:
0x15: {  	s24 =	simm.s32 $0x0  }
0x16: {  	s25 =	simm.s32 $0x220;
	[tilespmem:s24+$0x6770] =	vst v0  }
.LBB2_2:
0x17: {  	p1 =	sne.s32 s25, $0x10DE0;
	[tilespmem:s24+$0x6778] =	vst v0  }
0x18: {  	[tilespmem:s24+$0x6700] =	vst v0  }
0x19: {  	[tilespmem:s24+$0x6710] =	vst v0  }
0x1a: {  	[tilespmem:s24+$0x6720] =	vst v0  }
.Ltmp0:
0x1b: {  	[tilespmem:s24+$0x6730] =	vst v0;
	(pc) =	sbr.rel @p1 .LBB2_2-.Ltmp0, $4  }
0x1c: {  	[tilespmem:s24+$0x6740] =	vst v0  }
0x1d: {  	[tilespmem:s24+$0x6750] =	vst v0  }
0x1e: {  	[tilespmem:s24+$0x6760] =	vst v0;
	s24 =	sshra.s32 s25, $0x2  }
0x1f: {  	s25 =	sadd.s32 $0x220, s25;
	[tilespmem:s24+$0x6770] =	vst v0  }
0x20: {  	[tilespmem:s24+$0x6778] =	vst v0  }
0x21: {  	[tilespmem:s24+$0x6700] =	vst v0  }
0x22: {  	[tilespmem:s24+$0x6710] =	vst v0  }
0x23: {  	[tilespmem:s24+$0x6720] =	vst v0  }
0x24: {  	[tilespmem:s24+$0x6730] =	vst v0  }
0x25: {  	[tilespmem:s24+$0x6740] =	vst v0  }
0x26: {  	[tilespmem:s24+$0x6750] =	vst v0  }
0x27: {  	[tilespmem:s24+$0x6760] =	vst v0  }
0x28: {  	[spmem:s5] =	stream.linear.scatter [tilespmem:s17], [sflag:$0x2], $0x4400, $0x38;
	[tilespmem:$0x1FF00] =	vst v63  }
0x29: {  	_ =	swait.ge [sflag:s18], $0x4400  }
0x2a: {  	[sflag:s18] =	ssyncset.done $0x0  }
0x2b: {  	[sflag:s18] =	ssyncadd.s32 $0xFFFFBC00  }
0x2c: {  	[spmem:s6] =	stream.linear.scatter [tilespmem:s17], [sflag:$0x2], $0x4400, $0x38;
	[tilespmem:$0x1FF00] =	vst v63  }
0x2d: {  	_ =	swait.ge [sflag:s18], $0x4400  }
0x2e: {  	[sflag:s18] =	ssyncset.done $0x0  }
0x2f: {  	[sflag:s18] =	ssyncadd.s32 $0xFFFFBC00  }
0x30: {  	[spmem:s7] =	stream.linear.scatter [tilespmem:s17], [sflag:$0x2], $0x4400, $0x38;
	[tilespmem:$0x1FF00] =	vst v63  }
0x31: {  	_ =	swait.ge [sflag:s18], $0x4400  }
0x32: {  	[sflag:s18] =	ssyncset.done $0x0  }
0x33: {  	[sflag:s18] =	ssyncadd.s32 $0xFFFFBC00  }
0x34: {  	[spmem:s8] =	stream.linear.scatter [tilespmem:s17], [sflag:$0x2], $0x4400, $0x38;
	[tilespmem:$0x1FF00] =	vst v63  }
0x35: {  	_ =	swait.ge [sflag:s18], $0x4400  }
0x36: {  	[sflag:s18] =	ssyncset.done $0x0  }
0x37: {  	[sflag:s18] =	ssyncadd.s32 $0xFFFFBC00  }
0x38: {  	[spmem:s9] =	stream.linear.scatter [tilespmem:s17], [sflag:$0x2], $0x4400, $0x38;
	[tilespmem:$0x1FF00] =	vst v63  }
0x39: {  	_ =	swait.ge [sflag:s18], $0x4400  }
0x3a: {  	[sflag:s18] =	ssyncset.done $0x0  }
0x3b: {  	s24 =	simm.s32 @p0 $0x0;
	s25 =	simm.s32 @p0 $0x2;
	[sflag:s18] =	ssyncadd.s32 $0xFFFFBC00  }
0x3c: {  	[tilespmem:s24], [sflag:$0x2] =	stream.linear.gather @p0 [hbm4b:s10+s24], $0x1B80, $0x38;
	[tilespmem:$0x1FF00] =	vst v63  }
0x3d: {  	_ =	swait.ge @p0 [sflag:s25], $0x1B80  }
0x3e: {  	[sflag:s25] =	ssyncset.done @p0 $0x0  }
0x3f: {  	s26 =	simm.s32 @p0 $0x3380;
	[sflag:s25] =	ssyncadd.s32 @p0 $0xFFFFE480  }
0x40: {  	[tilespmem:s26], [sflag:$0x2] =	stream.linear.gather @p0 [hbm4b:s11+s24], $0x1B80, $0x38;
	[tilespmem:$0x1FF00] =	vst v63  }
0x41: {  	_ =	swait.ge @p0 [sflag:s25], $0x1B80  }
0x42: {  	[sflag:s25] =	ssyncset.done @p0 $0x0  }
0x43: {  	s24 =	simm.s32 @!p0 $0x0;
	[sflag:s25] =	ssyncadd.s32 @p0 $0xFFFFE480;
	s25 =	simm.s32 @!p0 $0x2  }
0x44: {  	[tilespmem:s24], [sflag:$0x2] =	stream.linear.gather @!p0 [hbm4b:s12+s24], $0x3380, $0x38;
	[tilespmem:$0x1FF00] =	vst v63  }
0x45: {  	_ =	swait.ge @!p0 [sflag:s25], $0x3380  }
0x46: {  	[sflag:s25] =	ssyncset.done @!p0 $0x0  }
0x47: {  	s26 =	simm.s32 @!p0 $0x3380;
	[sflag:s25] =	ssyncadd.s32 @!p0 $0xFFFFCC80  }
0x48: {  	[tilespmem:s26], [sflag:$0x2] =	stream.linear.gather @!p0 [hbm4b:s13+s24], $0x3380, $0x38;
	[tilespmem:$0x1FF00] =	vst v63  }
0x49: {  	_ =	swait.ge @!p0 [sflag:s25], $0x3380  }
0x4a: {  	[sflag:s25] =	ssyncset.done @!p0 $0x0  }
0x4b: {  	s26 =	simm.s32 @!p0 $0x67;
	[sflag:s25] =	ssyncadd.s32 @!p0 $0xFFFFCC80  }
0x4c: {  	s24 =	simm.s32 $0x0;
	s26 =	simm.s32 @p0 $0x37;
	[bflag:$0x0] =	sbarrier.arrive $0xFFFF  }
0x4d: {  	[tilespmem:s17], [sflag:$0x1] =	stream.indirect.gather [hbm4b:s4+s19], $0x88, s24, s19, $0xb8;
	[tilespmem:$0x1FF00] =	vst v63  }
0x4e: {  	p1 =	sne.s32 s26, $0x1;
	_ =	swait.ge [sflag:s20], $0x4400  }
.Ltmp1:
0x4f: {  	[sflag:s20] =	ssyncset.done $0x0;
	(pc) =	sbr.rel @!p1 .LBB2_5-.Ltmp1, $4  }
0x50: {  	s25 =	simm.s32 $0x3380;
	[sflag:s20] =	ssyncadd.s32 $0xFFFFBC00  }
0x51: {  	[spmem:s1] =	stream.indirect.scatter.add.f32 [tilespmem:s17], [sflag:$0x2], $0x88, s25, s19, $0xb8;
	[tilespmem:$0x1FF00] =	vst v63  }
0x52: {  	_ =	swait.ge [sflag:s18], $0x4400  }
0x53: {  	s26 =	sadd.s32 $0xFFFFFFFF, s26;
	[sflag:s18] =	ssyncset.done $0x0  }
.LBB2_4:
0x54: {  	[sflag:s18] =	ssyncadd.s32 $0xFFFFBC00;
	s24 =	sadd.s32 $0x80, s24;
	s25 =	sadd.s32 $0x80, s25  }
0x55: {  	[tilespmem:s17], [sflag:$0x1] =	stream.indirect.gather [hbm4b:s4+s19], $0x88, s24, s19, $0xb8;
	[tilespmem:$0x1FF00] =	vst v63  }
0x56: {  	p1 =	sne.s32 s26, $0x1;
	s26 =	sadd.s32 $0xFFFFFFFF, s26;
	_ =	swait.ge [sflag:s20], $0x4400  }
.Ltmp2:
0x57: {  	[sflag:s20] =	ssyncset.done $0x0;
	(pc) =	sbr.rel @p1 .LBB2_4-.Ltmp2, $4  }
0x58: {  	[sflag:s20] =	ssyncadd.s32 $0xFFFFBC00  }
0x59: {  	[spmem:s1] =	stream.indirect.scatter.add.f32 [tilespmem:s17], [sflag:$0x2], $0x88, s25, s19, $0xb8;
	[tilespmem:$0x1FF00] =	vst v63  }
0x5a: {  	_ =	swait.ge [sflag:s18], $0x4400  }
0x5b: {  	[sflag:s18] =	ssyncset.done $0x0  }
.LBB2_5:
0x5c: {  	[sflag:s18] =	ssyncadd.s32 $0xFFFFBC00;
	s24 =	sshll.u32 s2, $0x6  }
0x5d: {  	s25 =	sshrl.u32 s5, $0x3;
	[bflag:$0x0] =	sbarrier.arrive $0xFFFF;
	s24 =	sor.u32 $0x1C02, s24  }
0x5e: {  	[hbm:s14@s21], [sflag:s24] =	dma.strided [spmem:s25@s22], $0x2800, s20, $0x10   }
0x5f: {  	s3 =	sadd.s32 $0x1, s3;
	_ =	swait.ge [sflag:s18], $0x2800  }
0x60: {  	p1 =	sne.s32 s3, s16;
	[sflag:s18] =	ssyncset.done $0x0  }
.Ltmp3:
0x61: {  	[sflag:s18] =	ssyncadd.s32 $0xFFFFD800;
	(pc) =	sbr.rel @p1 .LBB2_1-.Ltmp3, $4  }
0x62: {  	[hbm:s15@s20], [sflag:s24] =	dma.strided [spmem:s23@s22], $0x280, s20, $0x1   }
0x63: {  	_ =	swait.ge [sflag:s18], $0x280  }
0x64: {  	[sflag:s18] =	ssyncset.done $0x0  }
0x65: {  	[sflag:s18] =	ssyncadd.s32 $0xFFFFFD80  }
0x66: {  	_ =	sfence.sel $0x180000  }
0x67: {  	[bflag:$0x0] =	sbarrier.arrive $0xFFFF  }
0x68: {  	p0 =	sne.s32 s2, $0x0;
	_ =	strace $0x90000047  }
0x69: {  	s0 =	sadd.s32 @!p0 $0x100000, s0;
	[bflag:$0x2] =	sbarrier.arrive $0xFFFF  }
0x6a: {  	[sflag:s0] =	ssyncadd.tile.s32 @!p0 $0x1;
	_ =	shalt  }
.Lfunc_end2:
_tile_overlayer_lowered:
.L_overlay_start_2:
0x6b: {  	(tag) =	ssettag $0x2  }
0x6c: {  	s0 =	rddreg [dreg:$0x0];
	s2 =	stileid.u32  }
0x6d: {  	s1 =	rddreg [dreg:$0x1];
	p0 =	sne.s32 s2, $0x0  }
0x6e: {  	s3 =	rddreg [dreg:$0x2];
	[bflag:$0x3] =	sbarrier.arrive $0xFFFF;
	s2 =	simm.s32 @!p0 $0x1C02  }
0x6f: {  	[timem:s3], [sflag:s2] =	dma.local @!p0 [hbm:s0], s1  }
0x70: {  	s0 =	simm.s32 @!p0 $0x2  }
0x71: {  	_ =	swait.ge @!p0 [sflag:s0], s1  }
0x72: {  	s1 =	ssub.s32 @!p0 $0x0, s1;
	[sflag:s0] =	ssyncset.done @!p0 $0x0  }
0x73: {  	[sflag:s0] =	ssyncadd.s32 @!p0 s1  }
0x74: {  	[bflag:$0x3] =	sbarrier.arrive $0xFFFF  }
0x75: {  	_ =	shalt  }

</sc_bundles>
